<compile_context>
chip_gen: v7x
topology: tpu7x:2x2x1
jax: 0.10.2.dev20260603
libtpu: 0.0.44.dev20260713+nightly
codegen_flags: <defaults>
</compile_context>

<pallas_src>
import functools

import jax
import jax.numpy as jnp
from jax import lax
from jax.experimental import pallas as pl
from jax.experimental.pallas import tpu as pltpu
from jax.experimental.pallas import tpu_sc as plsc

_NNZ = 4294967
_NC = 2
_NS = 16
_NW = _NC * _NS
_LANES = 16
_TPW = 8
_T = 16768
_TAIL_OFF = _NW * _TPW * _T
_TAIL = _NNZ - _TAIL_OFF
_TAIL_VECS = -(-_TAIL // _LANES)

def _mask_scale(dst, vv, rv, i):
    sl = pl.ds(i * _LANES, _LANES)
    scale = jnp.where(rv[sl] + jnp.float32(0.5) >= jnp.float32(1.0),
                      jnp.float32(2.0), jnp.float32(0.0))
    dst[sl] = vv[sl] * scale


@functools.cache
def _build_sparse_dropout_sc():
    mesh = plsc.VectorSubcoreMesh(core_axis_name="c", subcore_axis_name="s",
                                  num_cores=_NC, num_subcores=_NS)
    return functools.partial(
        pl.kernel,
        out_type=jax.ShapeDtypeStruct((_NNZ,), jnp.float32),
        mesh=mesh,
        scratch_types=[
            pltpu.VMEM((2 * _T,), jnp.float32),
            pltpu.VMEM((2 * _T,), jnp.float32),
            pltpu.VMEM((2 * _T,), jnp.float32),
            pltpu.SemaphoreType.DMA,
            pltpu.SemaphoreType.DMA,
            pltpu.SemaphoreType.DMA,
        ],
    )(_sparse_dropout_sc_body)


def _sparse_dropout_sc_body(vals_hbm, rand_hbm, out_hbm, vv, rv, ov,
                            sem_v, sem_r, sem_o):
    wid = lax.axis_index("s") * _NC + lax.axis_index("c")
    base = wid * _TPW * _T

    def in_copies(t, b):
        off = base + t * _T
        cv = pltpu.make_async_copy(vals_hbm.at[pl.ds(off, _T)], vv.at[pl.ds(b * _T, _T)], sem_v)
        cr = pltpu.make_async_copy(rand_hbm.at[pl.ds(off, _T)], rv.at[pl.ds(b * _T, _T)], sem_r)
        return cv, cr

    def out_copy(t, b):
        off = base + t * _T
        return pltpu.make_async_copy(ov.at[pl.ds(b * _T, _T)], out_hbm.at[pl.ds(off, _T)], sem_o)

    def compute(b):
        @plsc.parallel_loop(0, _T // _LANES, unroll=8)
        def _vec(i):
            _mask_scale(ov.at[pl.ds(b * _T, _T)], vv.at[pl.ds(b * _T, _T)],
                        rv.at[pl.ds(b * _T, _T)], i)

    for t in (0, 1):
        cv, cr = in_copies(t, t)
        cv.start()
        cr.start()

    @pl.loop(0, _TPW // 2)
    def _pair(p):
        t0 = p * 2
        for b in (0, 1):
            t = t0 + b
            cv, cr = in_copies(t, b)
            cv.wait()
            cr.wait()

            @pl.when(t >= 2)
            def _():
                out_copy(t - 2, b).wait()

            compute(b)
            out_copy(t, b).start()

            @pl.when(t + 2 < _TPW)
            def _():
                nv, nr = in_copies(t + 2, b)
                nv.start()
                nr.start()

    out_copy(_TPW - 2, 0).wait()
    out_copy(_TPW - 1, 1).wait()

    @pl.when(wid == 0)
    def _tail():
        pltpu.sync_copy(vals_hbm.at[pl.ds(_TAIL_OFF, _TAIL)],
                        vv.at[pl.ds(0, _TAIL)])
        pltpu.sync_copy(rand_hbm.at[pl.ds(_TAIL_OFF, _TAIL)],
                        rv.at[pl.ds(0, _TAIL)])

        @plsc.parallel_loop(0, _TAIL_VECS, unroll=4)
        def _vec(i):
            _mask_scale(ov, vv, rv, i)

        pltpu.sync_copy(ov.at[pl.ds(0, _TAIL)],
                        out_hbm.at[pl.ds(_TAIL_OFF, _TAIL)])


_CB = 1048576
_CGRID = -(-_NNZ // _CB)


def _copy_body(src_ref, dst_ref):
    dst_ref[...] = src_ref[...]


def _indices_copy_tc(indices):
    return pl.pallas_call(
        _copy_body,
        out_shape=jax.ShapeDtypeStruct((2, _NNZ), jnp.int32),
        grid=(_CGRID,),
        in_specs=[pl.BlockSpec((2, _CB), lambda i: (0, i))],
        out_specs=pl.BlockSpec((2, _CB), lambda i: (0, i)),
    )(indices)


def kernel(indices, values, rand_vals):
    new_vals = _build_sparse_dropout_sc()(values, rand_vals)
    return _indices_copy_tc(indices), new_vals

# --- scband reference (transcript-rebuilt; emitter-appended) ---
"""Pipeline reference for scband-sparse-dropout-17626545783659 (READ-ONLY COPY).

The authoritative reference and input builder live on the scoring server;
editing this copy changes nothing except your own understanding.
"""

import jax, jax.numpy as jnp
import numpy as np

N = 65536
NNZ = 4294967
P = 0.5
KPROB = 1.0 - P

def setup_inputs(seed: int = 0):
    key = jax.random.key(seed)
    k1, k2, k3 = jax.random.split(key, 3)
    indices = jax.random.randint(k1, (2, NNZ), 0, N, dtype=jnp.int32)
    values = jax.random.normal(k2, (NNZ,), dtype=jnp.float32)
    rand_vals = jax.random.uniform(k3, (NNZ,), dtype=jnp.float32)
    return {"indices": indices, "values": values, "rand_vals": rand_vals}

def reference(indices, values, rand_vals):
    # torch: mask = (rand + kprob).floor().bool(); keep masked entries, scale by 1/kprob.
    # JAX static-shape equivalent: zero out dropped values at the same nnz slots
    # (a sparse tensor with explicit zeros is mathematically identical).
    mask = jnp.floor(rand_vals + KPROB)  # 1.0 with prob kprob, else 0.0
    new_vals = values * mask * (1.0 / KPROB)
    return indices, new_vals

if __name__ == "__main__":
    import jax
    _d = setup_inputs()
    print(jax.jit(kernel)(*tuple(_d.values())))

</pallas_src>

<mosaic_0001>
#map = affine_map<(d0, d1) -> (0)>
module attributes {stable_mosaic.version = 14 : i64} {
  func.func @_sparse_dropout_sc_body(%arg0: i32, %arg1: i32, %arg2: memref<4294967xf32, #tpu.memory_space<hbm>>, %arg3: memref<4294967xf32, #tpu.memory_space<hbm>>, %arg4: memref<4294967xf32, #tpu.memory_space<hbm>>, %arg5: memref<33536xf32, #tpu.memory_space<vmem>>, %arg6: memref<33536xf32, #tpu.memory_space<vmem>>, %arg7: memref<33536xf32, #tpu.memory_space<vmem>>, %arg8: memref<!tpu.dma_semaphore, #tpu.memory_space<semaphore_mem>>, %arg9: memref<!tpu.dma_semaphore, #tpu.memory_space<semaphore_mem>>, %arg10: memref<!tpu.dma_semaphore, #tpu.memory_space<semaphore_mem>>) attributes {dimension_semantics = [#tpu.dimension_semantics<core_parallel>, #tpu.dimension_semantics<subcore_parallel>], iteration_bounds = array<i64: 2, 16>, scalar_prefetch = 0 : i64, scratch_operands = 6 : i64, tpu.core_type = #tpu.core_type<sc_vector_subcore>, window_params = [{transform_indices = #map}, {transform_indices = #map}, {transform_indices = #map}]} {
    %mul3A = arith.constant 2 : i32
    %mul3A_0 = arith.muli %arg1, %mul3A : i32
    %add3A = arith.addi %mul3A_0, %arg0 : i32
    %mul3A_1 = arith.constant 8 : i32
    %mul3A_2 = arith.muli %add3A, %mul3A_1 : i32
    %mul3A_3 = arith.constant 16768 : i32
    %mul3A_4 = arith.muli %mul3A_2, %mul3A_3 : i32
    %add3A_5 = arith.constant 0 : i32
    %add3A_6 = arith.addi %mul3A_4, %add3A_5 : i32
    %dma_start3A = arith.constant 0 : i32
    %dma_start3A_7 = tpu.memref_slice %arg5[%dma_start3A] : memref<33536xf32, #tpu.memory_space<vmem>> -> memref<16768xf32, #tpu.memory_space<vmem>>
    %dma_start3A_8 = tpu.memref_slice %arg2[%add3A_6] : memref<4294967xf32, #tpu.memory_space<hbm>> -> memref<16768xf32, #tpu.memory_space<hbm>>
    %dma_start3A_9 = arith.constant 0 : i32
    %dma_start3A_10 = tpu.memref_slice %arg5[%dma_start3A_9] : memref<33536xf32, #tpu.memory_space<vmem>> -> memref<16768xf32, #tpu.memory_space<vmem>>
    %dma_start3A_11 = tpu.memref_slice %arg2[%add3A_6] : memref<4294967xf32, #tpu.memory_space<hbm>> -> memref<16768xf32, #tpu.memory_space<hbm>>
    tpu.enqueue_dma source(%dma_start3A_11 : memref<16768xf32, #tpu.memory_space<hbm>>) target(%dma_start3A_10 : memref<16768xf32, #tpu.memory_space<vmem>>) target_semaphore(%arg8 : memref<!tpu.dma_semaphore, #tpu.memory_space<semaphore_mem>>)
    %dma_start3A_12 = arith.constant 0 : i32
    %dma_start3A_13 = tpu.memref_slice %arg6[%dma_start3A_12] : memref<33536xf32, #tpu.memory_space<vmem>> -> memref<16768xf32, #tpu.memory_space<vmem>>
    %dma_start3A_14 = tpu.memref_slice %arg3[%add3A_6] : memref<4294967xf32, #tpu.memory_space<hbm>> -> memref<16768xf32, #tpu.memory_space<hbm>>
    %dma_start3A_15 = arith.constant 0 : i32
    %dma_start3A_16 = tpu.memref_slice %arg6[%dma_start3A_15] : memref<33536xf32, #tpu.memory_space<vmem>> -> memref<16768xf32, #tpu.memory_space<vmem>>
    %dma_start3A_17 = tpu.memref_slice %arg3[%add3A_6] : memref<4294967xf32, #tpu.memory_space<hbm>> -> memref<16768xf32, #tpu.memory_space<hbm>>
    tpu.enqueue_dma source(%dma_start3A_17 : memref<16768xf32, #tpu.memory_space<hbm>>) target(%dma_start3A_16 : memref<16768xf32, #tpu.memory_space<vmem>>) target_semaphore(%arg9 : memref<!tpu.dma_semaphore, #tpu.memory_space<semaphore_mem>>)
    %add3A_18 = arith.constant 16768 : i32
    %add3A_19 = arith.addi %mul3A_4, %add3A_18 : i32
    %dma_start3A_20 = arith.constant 16768 : i32
    %dma_start3A_21 = tpu.memref_slice %arg5[%dma_start3A_20] : memref<33536xf32, #tpu.memory_space<vmem>> -> memref<16768xf32, #tpu.memory_space<vmem>>
    %dma_start3A_22 = tpu.memref_slice %arg2[%add3A_19] : memref<4294967xf32, #tpu.memory_space<hbm>> -> memref<16768xf32, #tpu.memory_space<hbm>>
    %dma_start3A_23 = arith.constant 16768 : i32
    %dma_start3A_24 = tpu.memref_slice %arg5[%dma_start3A_23] : memref<33536xf32, #tpu.memory_space<vmem>> -> memref<16768xf32, #tpu.memory_space<vmem>>
    %dma_start3A_25 = tpu.memref_slice %arg2[%add3A_19] : memref<4294967xf32, #tpu.memory_space<hbm>> -> memref<16768xf32, #tpu.memory_space<hbm>>
    tpu.enqueue_dma source(%dma_start3A_25 : memref<16768xf32, #tpu.memory_space<hbm>>) target(%dma_start3A_24 : memref<16768xf32, #tpu.memory_space<vmem>>) target_semaphore(%arg8 : memref<!tpu.dma_semaphore, #tpu.memory_space<semaphore_mem>>)
    %dma_start3A_26 = arith.constant 16768 : i32
    %dma_start3A_27 = tpu.memref_slice %arg6[%dma_start3A_26] : memref<33536xf32, #tpu.memory_space<vmem>> -> memref<16768xf32, #tpu.memory_space<vmem>>
    %dma_start3A_28 = tpu.memref_slice %arg3[%add3A_19] : memref<4294967xf32, #tpu.memory_space<hbm>> -> memref<16768xf32, #tpu.memory_space<hbm>>
    %dma_start3A_29 = arith.constant 16768 : i32
    %dma_start3A_30 = tpu.memref_slice %arg6[%dma_start3A_29] : memref<33536xf32, #tpu.memory_space<vmem>> -> memref<16768xf32, #tpu.memory_space<vmem>>
    %dma_start3A_31 = tpu.memref_slice %arg3[%add3A_19] : memref<4294967xf32, #tpu.memory_space<hbm>> -> memref<16768xf32, #tpu.memory_space<hbm>>
    tpu.enqueue_dma source(%dma_start3A_31 : memref<16768xf32, #tpu.memory_space<hbm>>) target(%dma_start3A_30 : memref<16768xf32, #tpu.memory_space<vmem>>) target_semaphore(%arg9 : memref<!tpu.dma_semaphore, #tpu.memory_space<semaphore_mem>>)
    %scan3A = arith.constant 0 : i32
    %scan3A_32 = arith.constant 4 : i32
    %scan3A_33 = arith.addi %scan3A, %scan3A_32 : i32
    %scan3A_34 = arith.constant 1 : i32
    scf.for %scan3A_53 = %scan3A to %scan3A_33 step %scan3A_34  : i32 {
      %mul3A_54 = arith.constant 1 : i32
      %mul3A_55 = arith.muli %scan3A_53, %mul3A_54 : i32
      %add3A_56 = arith.constant 0 : i32
      %add3A_57 = arith.addi %add3A_56, %mul3A_55 : i32
      %mul3A_58 = arith.constant 2 : i32
      %mul3A_59 = arith.muli %add3A_57, %mul3A_58 : i32
      %add3A_60 = arith.constant 0 : i32
      %add3A_61 = arith.addi %mul3A_59, %add3A_60 : i32
      %mul3A_62 = arith.constant 16768 : i32
      %mul3A_63 = arith.muli %add3A_61, %mul3A_62 : i32
      %add3A_64 = arith.addi %mul3A_4, %mul3A_63 : i32
      %dma_wait3A_65 = arith.constant 0 : i32
      %dma_wait3A_66 = tpu.memref_slice %arg5[%dma_wait3A_65] : memref<33536xf32, #tpu.memory_space<vmem>> -> memref<16768xf32, #tpu.memory_space<vmem>>
      %dma_wait3A_67 = tpu.memref_slice %arg2[%add3A_64] : memref<4294967xf32, #tpu.memory_space<hbm>> -> memref<16768xf32, #tpu.memory_space<hbm>>
      %dma_wait3A_68 = arith.constant 0 : i32
      %dma_wait3A_69 = tpu.memref_slice %arg5[%dma_wait3A_68] : memref<33536xf32, #tpu.memory_space<vmem>> -> memref<16768xf32, #tpu.memory_space<vmem>>
      %dma_wait3A_70 = tpu.memref_slice %arg2[%add3A_64] : memref<4294967xf32, #tpu.memory_space<hbm>> -> memref<16768xf32, #tpu.memory_space<hbm>>
      tpu.wait_dma2 semaphore(%arg8 : memref<!tpu.dma_semaphore, #tpu.memory_space<semaphore_mem>>) src(%dma_wait3A_70 : memref<16768xf32, #tpu.memory_space<hbm>>) dst(%dma_wait3A_69 : memref<16768xf32, #tpu.memory_space<vmem>>)
      %dma_wait3A_71 = arith.constant 0 : i32
      %dma_wait3A_72 = tpu.memref_slice %arg6[%dma_wait3A_71] : memref<33536xf32, #tpu.memory_space<vmem>> -> memref<16768xf32, #tpu.memory_space<vmem>>
      %dma_wait3A_73 = tpu.memref_slice %arg3[%add3A_64] : memref<4294967xf32, #tpu.memory_space<hbm>> -> memref<16768xf32, #tpu.memory_space<hbm>>
      %dma_wait3A_74 = arith.constant 0 : i32
      %dma_wait3A_75 = tpu.memref_slice %arg6[%dma_wait3A_74] : memref<33536xf32, #tpu.memory_space<vmem>> -> memref<16768xf32, #tpu.memory_space<vmem>>
      %dma_wait3A_76 = tpu.memref_slice %arg3[%add3A_64] : memref<4294967xf32, #tpu.memory_space<hbm>> -> memref<16768xf32, #tpu.memory_space<hbm>>
      tpu.wait_dma2 semaphore(%arg9 : memref<!tpu.dma_semaphore, #tpu.memory_space<semaphore_mem>>) src(%dma_wait3A_76 : memref<16768xf32, #tpu.memory_space<hbm>>) dst(%dma_wait3A_75 : memref<16768xf32, #tpu.memory_space<vmem>>)
      %ge3A = arith.constant 2 : i32
      %ge3A_77 = arith.cmpi sge, %add3A_61, %ge3A : i32
      %convert_element_type3A_78 = arith.extui %ge3A_77 : i1 to i32
      %cond3A_79 = arith.constant 0 : i32
      %cond3A_80 = arith.cmpi ne, %convert_element_type3A_78, %cond3A_79 : i32
      scf.if %cond3A_80 {
        %sub3A = arith.constant 2 : i32
        %sub3A_139 = arith.subi %add3A_61, %sub3A : i32
        %mul3A_140 = arith.constant 16768 : i32
        %mul3A_141 = arith.muli %sub3A_139, %mul3A_140 : i32
        %add3A_142 = arith.addi %mul3A_4, %mul3A_141 : i32
        %dma_wait3A_143 = arith.constant 0 : i32
        %dma_wait3A_144 = tpu.memref_slice %arg7[%dma_wait3A_143] : memref<33536xf32, #tpu.memory_space<vmem>> -> memref<16768xf32, #tpu.memory_space<vmem>>
        %dma_wait3A_145 = tpu.memref_slice %arg4[%add3A_142] : memref<4294967xf32, #tpu.memory_space<hbm>> -> memref<16768xf32, #tpu.memory_space<hbm>>
        %dma_wait3A_146 = tpu.memref_slice %arg4[%add3A_142] : memref<4294967xf32, #tpu.memory_space<hbm>> -> memref<16768xf32, #tpu.memory_space<hbm>>
        %dma_wait3A_147 = arith.constant 0 : i32
        %dma_wait3A_148 = tpu.memref_slice %arg7[%dma_wait3A_147] : memref<33536xf32, #tpu.memory_space<vmem>> -> memref<16768xf32, #tpu.memory_space<vmem>>
        tpu.wait_dma2 semaphore(%arg10 : memref<!tpu.dma_semaphore, #tpu.memory_space<semaphore_mem>>) src(%dma_wait3A_148 : memref<16768xf32, #tpu.memory_space<vmem>>) dst(%dma_wait3A_146 : memref<16768xf32, #tpu.memory_space<hbm>>)
      } else {
      }
      %parallel_loop3A = arith.constant 0 : i32
      %parallel_loop3A_81 = arith.constant 1048 : i32
      %parallel_loop3A_82 = arith.constant 1 : i32
      scf.for %parallel_loop3A_139 = %parallel_loop3A to %parallel_loop3A_81 step %parallel_loop3A_82  : i32 {
        %parallel_loop3A_140 = arith.constant 16 : i32
        %parallel_loop3A_141 = arith.muli %parallel_loop3A_139, %parallel_loop3A_140 : i32
        %parallel_loop3A_142 = arith.constant 0 : i32
        %parallel_loop3A_143 = tpu.memref_slice %arg6[%parallel_loop3A_142] : memref<33536xf32, #tpu.memory_space<vmem>> -> memref<16768xf32, #tpu.memory_space<vmem>>
        %parallel_loop3A_144 = arith.index_cast %parallel_loop3A_141 : i32 to index
        %parallel_loop3A_145 = tpu.vector_load %parallel_loop3A_143[%parallel_loop3A_144] {strides = array<i32>} : memref<16768xf32, #tpu.memory_space<vmem>>, vector<16xf32>,
        %parallel_loop3A_146 = vector.shape_cast %parallel_loop3A_145 : vector<16xf32> to vector<16xf32>
        %parallel_loop3A_147 = arith.constant 5.000000e-01 : f32
        %parallel_loop3A_148 = vector.broadcast %parallel_loop3A_147 : f32 to vector<16xf32>
        %parallel_loop3A_149 = arith.addf %parallel_loop3A_146, %parallel_loop3A_148 : vector<16xf32>
        %parallel_loop3A_150 = arith.constant 1.000000e+00 : f32
        %parallel_loop3A_151 = vector.broadcast %parallel_loop3A_150 : f32 to vector<16xf32>
        %parallel_loop3A_152 = arith.cmpf oge, %parallel_loop3A_149, %parallel_loop3A_151 : vector<16xf32>
        %parallel_loop3A_153 = arith.constant 2.000000e+00 : f32
        %parallel_loop3A_154 = arith.constant 0.000000e+00 : f32
        %parallel_loop3A_155 = vector.broadcast %parallel_loop3A_153 : f32 to vector<16xf32>
        %parallel_loop3A_156 = vector.broadcast %parallel_loop3A_154 : f32 to vector<16xf32>
        %parallel_loop3A_157 = arith.select %parallel_loop3A_152, %parallel_loop3A_155, %parallel_loop3A_156 : vector<16xi1>, vector<16xf32>
        %parallel_loop3A_158 = arith.constant 0 : i32
        %parallel_loop3A_159 = tpu.memref_slice %arg5[%parallel_loop3A_158] : memref<33536xf32, #tpu.memory_space<vmem>> -> memref<16768xf32, #tpu.memory_space<vmem>>
        %parallel_loop3A_160 = arith.index_cast %parallel_loop3A_141 : i32 to index
        %parallel_loop3A_161 = tpu.vector_load %parallel_loop3A_159[%parallel_loop3A_160] {strides = array<i32>} : memref<16768xf32, #tpu.memory_space<vmem>>, vector<16xf32>,
        %parallel_loop3A_162 = vector.shape_cast %parallel_loop3A_161 : vector<16xf32> to vector<16xf32>
        %parallel_loop3A_163 = arith.mulf %parallel_loop3A_162, %parallel_loop3A_157 : vector<16xf32>
        %parallel_loop3A_164 = arith.constant 0 : i32
        %parallel_loop3A_165 = tpu.memref_slice %arg7[%parallel_loop3A_164] : memref<33536xf32, #tpu.memory_space<vmem>> -> memref<16768xf32, #tpu.memory_space<vmem>>
        %parallel_loop3A_166 = arith.index_cast %parallel_loop3A_141 : i32 to index
        %parallel_loop3A_167 = tpu.vector_load %parallel_loop3A_165[%parallel_loop3A_166] {strides = array<i32>} : memref<16768xf32, #tpu.memory_space<vmem>>, vector<16xf32>,
        %parallel_loop3A_168 = vector.shape_cast %parallel_loop3A_167 : vector<16xf32> to vector<16xf32>
        %parallel_loop3A_169 = vector.shape_cast %parallel_loop3A_163 : vector<16xf32> to vector<16xf32>
        tpu.vector_store %parallel_loop3A_165[%parallel_loop3A_166], %parallel_loop3A_169 {strides = array<i32>} : memref<16768xf32, #tpu.memory_space<vmem>>, vector<16xf32>,
      } {sc.loop_unroll_factor = 8 : i64, sc.parallel_access}
      %mul3A_83 = arith.constant 16768 : i32
      %mul3A_84 = arith.muli %add3A_61, %mul3A_83 : i32
      %add3A_85 = arith.addi %mul3A_4, %mul3A_84 : i32
      %dma_start3A_86 = arith.constant 0 : i32
      %dma_start3A_87 = tpu.memref_slice %arg7[%dma_start3A_86] : memref<33536xf32, #tpu.memory_space<vmem>> -> memref<16768xf32, #tpu.memory_space<vmem>>
      %dma_start3A_88 = tpu.memref_slice %arg4[%add3A_85] : memref<4294967xf32, #tpu.memory_space<hbm>> -> memref<16768xf32, #tpu.memory_space<hbm>>
      %dma_start3A_89 = tpu.memref_slice %arg4[%add3A_85] : memref<4294967xf32, #tpu.memory_space<hbm>> -> memref<16768xf32, #tpu.memory_space<hbm>>
      %dma_start3A_90 = arith.constant 0 : i32
      %dma_start3A_91 = tpu.memref_slice %arg7[%dma_start3A_90] : memref<33536xf32, #tpu.memory_space<vmem>> -> memref<16768xf32, #tpu.memory_space<vmem>>
      tpu.enqueue_dma source(%dma_start3A_91 : memref<16768xf32, #tpu.memory_space<vmem>>) target(%dma_start3A_89 : memref<16768xf32, #tpu.memory_space<hbm>>) target_semaphore(%arg10 : memref<!tpu.dma_semaphore, #tpu.memory_space<semaphore_mem>>)
      %add3A_92 = arith.constant 2 : i32
      %add3A_93 = arith.addi %add3A_61, %add3A_92 : i32
      %lt3A = arith.constant 8 : i32
      %lt3A_94 = arith.cmpi slt, %add3A_93, %lt3A : i32
      %convert_element_type3A_95 = arith.extui %lt3A_94 : i1 to i32
      %cond3A_96 = arith.constant 0 : i32
      %cond3A_97 = arith.cmpi ne, %convert_element_type3A_95, %cond3A_96 : i32
      scf.if %cond3A_97 {
        %add3A_139 = arith.constant 2 : i32
        %add3A_140 = arith.addi %add3A_61, %add3A_139 : i32
        %mul3A_141 = arith.constant 16768 : i32
        %mul3A_142 = arith.muli %add3A_140, %mul3A_141 : i32
        %add3A_143 = arith.addi %mul3A_4, %mul3A_142 : i32
        %dma_start3A_144 = arith.constant 0 : i32
        %dma_start3A_145 = tpu.memref_slice %arg5[%dma_start3A_144] : memref<33536xf32, #tpu.memory_space<vmem>> -> memref<16768xf32, #tpu.memory_space<vmem>>
        %dma_start3A_146 = tpu.memref_slice %arg2[%add3A_143] : memref<4294967xf32, #tpu.memory_space<hbm>> -> memref<16768xf32, #tpu.memory_space<hbm>>
        %dma_start3A_147 = arith.constant 0 : i32
        %dma_start3A_148 = tpu.memref_slice %arg5[%dma_start3A_147] : memref<33536xf32, #tpu.memory_space<vmem>> -> memref<16768xf32, #tpu.memory_space<vmem>>
        %dma_start3A_149 = tpu.memref_slice %arg2[%add3A_143] : memref<4294967xf32, #tpu.memory_space<hbm>> -> memref<16768xf32, #tpu.memory_space<hbm>>
        tpu.enqueue_dma source(%dma_start3A_149 : memref<16768xf32, #tpu.memory_space<hbm>>) target(%dma_start3A_148 : memref<16768xf32, #tpu.memory_space<vmem>>) target_semaphore(%arg8 : memref<!tpu.dma_semaphore, #tpu.memory_space<semaphore_mem>>)
        %dma_start3A_150 = arith.constant 0 : i32
        %dma_start3A_151 = tpu.memref_slice %arg6[%dma_start3A_150] : memref<33536xf32, #tpu.memory_space<vmem>> -> memref<16768xf32, #tpu.memory_space<vmem>>
        %dma_start3A_152 = tpu.memref_slice %arg3[%add3A_143] : memref<4294967xf32, #tpu.memory_space<hbm>> -> memref<16768xf32, #tpu.memory_space<hbm>>
        %dma_start3A_153 = arith.constant 0 : i32
        %dma_start3A_154 = tpu.memref_slice %arg6[%dma_start3A_153] : memref<33536xf32, #tpu.memory_space<vmem>> -> memref<16768xf32, #tpu.memory_space<vmem>>
        %dma_start3A_155 = tpu.memref_slice %arg3[%add3A_143] : memref<4294967xf32, #tpu.memory_space<hbm>> -> memref<16768xf32, #tpu.memory_space<hbm>>
        tpu.enqueue_dma source(%dma_start3A_155 : memref<16768xf32, #tpu.memory_space<hbm>>) target(%dma_start3A_154 : memref<16768xf32, #tpu.memory_space<vmem>>) target_semaphore(%arg9 : memref<!tpu.dma_semaphore, #tpu.memory_space<semaphore_mem>>)
      } else {
      }
      %add3A_98 = arith.constant 1 : i32
      %add3A_99 = arith.addi %mul3A_59, %add3A_98 : i32
      %mul3A_100 = arith.constant 16768 : i32
      %mul3A_101 = arith.muli %add3A_99, %mul3A_100 : i32
      %add3A_102 = arith.addi %mul3A_4, %mul3A_101 : i32
      %dma_wait3A_103 = arith.constant 16768 : i32
      %dma_wait3A_104 = tpu.memref_slice %arg5[%dma_wait3A_103] : memref<33536xf32, #tpu.memory_space<vmem>> -> memref<16768xf32, #tpu.memory_space<vmem>>
      %dma_wait3A_105 = tpu.memref_slice %arg2[%add3A_102] : memref<4294967xf32, #tpu.memory_space<hbm>> -> memref<16768xf32, #tpu.memory_space<hbm>>
      %dma_wait3A_106 = arith.constant 16768 : i32
      %dma_wait3A_107 = tpu.memref_slice %arg5[%dma_wait3A_106] : memref<33536xf32, #tpu.memory_space<vmem>> -> memref<16768xf32, #tpu.memory_space<vmem>>
      %dma_wait3A_108 = tpu.memref_slice %arg2[%add3A_102] : memref<4294967xf32, #tpu.memory_space<hbm>> -> memref<16768xf32, #tpu.memory_space<hbm>>
      tpu.wait_dma2 semaphore(%arg8 : memref<!tpu.dma_semaphore, #tpu.memory_space<semaphore_mem>>) src(%dma_wait3A_108 : memref<16768xf32, #tpu.memory_space<hbm>>) dst(%dma_wait3A_107 : memref<16768xf32, #tpu.memory_space<vmem>>)
      %dma_wait3A_109 = arith.constant 16768 : i32
      %dma_wait3A_110 = tpu.memref_slice %arg6[%dma_wait3A_109] : memref<33536xf32, #tpu.memory_space<vmem>> -> memref<16768xf32, #tpu.memory_space<vmem>>
      %dma_wait3A_111 = tpu.memref_slice %arg3[%add3A_102] : memref<4294967xf32, #tpu.memory_space<hbm>> -> memref<16768xf32, #tpu.memory_space<hbm>>
      %dma_wait3A_112 = arith.constant 16768 : i32
      %dma_wait3A_113 = tpu.memref_slice %arg6[%dma_wait3A_112] : memref<33536xf32, #tpu.memory_space<vmem>> -> memref<16768xf32, #tpu.memory_space<vmem>>
      %dma_wait3A_114 = tpu.memref_slice %arg3[%add3A_102] : memref<4294967xf32, #tpu.memory_space<hbm>> -> memref<16768xf32, #tpu.memory_space<hbm>>
      tpu.wait_dma2 semaphore(%arg9 : memref<!tpu.dma_semaphore, #tpu.memory_space<semaphore_mem>>) src(%dma_wait3A_114 : memref<16768xf32, #tpu.memory_space<hbm>>) dst(%dma_wait3A_113 : memref<16768xf32, #tpu.memory_space<vmem>>)
      %ge3A_115 = arith.constant 2 : i32
      %ge3A_116 = arith.cmpi sge, %add3A_99, %ge3A_115 : i32
      %convert_element_type3A_117 = arith.extui %ge3A_116 : i1 to i32
      %cond3A_118 = arith.constant 0 : i32
      %cond3A_119 = arith.cmpi ne, %convert_element_type3A_117, %cond3A_118 : i32
      scf.if %cond3A_119 {
        %sub3A = arith.constant 2 : i32
        %sub3A_139 = arith.subi %add3A_99, %sub3A : i32
        %mul3A_140 = arith.constant 16768 : i32
        %mul3A_141 = arith.muli %sub3A_139, %mul3A_140 : i32
        %add3A_142 = arith.addi %mul3A_4, %mul3A_141 : i32
        %dma_wait3A_143 = arith.constant 16768 : i32
        %dma_wait3A_144 = tpu.memref_slice %arg7[%dma_wait3A_143] : memref<33536xf32, #tpu.memory_space<vmem>> -> memref<16768xf32, #tpu.memory_space<vmem>>
        %dma_wait3A_145 = tpu.memref_slice %arg4[%add3A_142] : memref<4294967xf32, #tpu.memory_space<hbm>> -> memref<16768xf32, #tpu.memory_space<hbm>>
        %dma_wait3A_146 = tpu.memref_slice %arg4[%add3A_142] : memref<4294967xf32, #tpu.memory_space<hbm>> -> memref<16768xf32, #tpu.memory_space<hbm>>
        %dma_wait3A_147 = arith.constant 16768 : i32
        %dma_wait3A_148 = tpu.memref_slice %arg7[%dma_wait3A_147] : memref<33536xf32, #tpu.memory_space<vmem>> -> memref<16768xf32, #tpu.memory_space<vmem>>
        tpu.wait_dma2 semaphore(%arg10 : memref<!tpu.dma_semaphore, #tpu.memory_space<semaphore_mem>>) src(%dma_wait3A_148 : memref<16768xf32, #tpu.memory_space<vmem>>) dst(%dma_wait3A_146 : memref<16768xf32, #tpu.memory_space<hbm>>)
      } else {
      }
      %parallel_loop3A_120 = arith.constant 0 : i32
      %parallel_loop3A_121 = arith.constant 1048 : i32
      %parallel_loop3A_122 = arith.constant 1 : i32
      scf.for %parallel_loop3A_139 = %parallel_loop3A_120 to %parallel_loop3A_121 step %parallel_loop3A_122  : i32 {
        %parallel_loop3A_140 = arith.constant 16 : i32
        %parallel_loop3A_141 = arith.muli %parallel_loop3A_139, %parallel_loop3A_140 : i32
        %parallel_loop3A_142 = arith.constant 16768 : i32
        %parallel_loop3A_143 = tpu.memref_slice %arg6[%parallel_loop3A_142] : memref<33536xf32, #tpu.memory_space<vmem>> -> memref<16768xf32, #tpu.memory_space<vmem>>
        %parallel_loop3A_144 = arith.index_cast %parallel_loop3A_141 : i32 to index
        %parallel_loop3A_145 = tpu.vector_load %parallel_loop3A_143[%parallel_loop3A_144] {strides = array<i32>} : memref<16768xf32, #tpu.memory_space<vmem>>, vector<16xf32>,
        %parallel_loop3A_146 = vector.shape_cast %parallel_loop3A_145 : vector<16xf32> to vector<16xf32>
        %parallel_loop3A_147 = arith.constant 5.000000e-01 : f32
        %parallel_loop3A_148 = vector.broadcast %parallel_loop3A_147 : f32 to vector<16xf32>
        %parallel_loop3A_149 = arith.addf %parallel_loop3A_146, %parallel_loop3A_148 : vector<16xf32>
        %parallel_loop3A_150 = arith.constant 1.000000e+00 : f32
        %parallel_loop3A_151 = vector.broadcast %parallel_loop3A_150 : f32 to vector<16xf32>
        %parallel_loop3A_152 = arith.cmpf oge, %parallel_loop3A_149, %parallel_loop3A_151 : vector<16xf32>
        %parallel_loop3A_153 = arith.constant 2.000000e+00 : f32
        %parallel_loop3A_154 = arith.constant 0.000000e+00 : f32
        %parallel_loop3A_155 = vector.broadcast %parallel_loop3A_153 : f32 to vector<16xf32>
        %parallel_loop3A_156 = vector.broadcast %parallel_loop3A_154 : f32 to vector<16xf32>
        %parallel_loop3A_157 = arith.select %parallel_loop3A_152, %parallel_loop3A_155, %parallel_loop3A_156 : vector<16xi1>, vector<16xf32>
        %parallel_loop3A_158 = arith.constant 16768 : i32
        %parallel_loop3A_159 = tpu.memref_slice %arg5[%parallel_loop3A_158] : memref<33536xf32, #tpu.memory_space<vmem>> -> memref<16768xf32, #tpu.memory_space<vmem>>
        %parallel_loop3A_160 = arith.index_cast %parallel_loop3A_141 : i32 to index
        %parallel_loop3A_161 = tpu.vector_load %parallel_loop3A_159[%parallel_loop3A_160] {strides = array<i32>} : memref<16768xf32, #tpu.memory_space<vmem>>, vector<16xf32>,
        %parallel_loop3A_162 = vector.shape_cast %parallel_loop3A_161 : vector<16xf32> to vector<16xf32>
        %parallel_loop3A_163 = arith.mulf %parallel_loop3A_162, %parallel_loop3A_157 : vector<16xf32>
        %parallel_loop3A_164 = arith.constant 16768 : i32
        %parallel_loop3A_165 = tpu.memref_slice %arg7[%parallel_loop3A_164] : memref<33536xf32, #tpu.memory_space<vmem>> -> memref<16768xf32, #tpu.memory_space<vmem>>
        %parallel_loop3A_166 = arith.index_cast %parallel_loop3A_141 : i32 to index
        %parallel_loop3A_167 = tpu.vector_load %parallel_loop3A_165[%parallel_loop3A_166] {strides = array<i32>} : memref<16768xf32, #tpu.memory_space<vmem>>, vector<16xf32>,
        %parallel_loop3A_168 = vector.shape_cast %parallel_loop3A_167 : vector<16xf32> to vector<16xf32>
        %parallel_loop3A_169 = vector.shape_cast %parallel_loop3A_163 : vector<16xf32> to vector<16xf32>
        tpu.vector_store %parallel_loop3A_165[%parallel_loop3A_166], %parallel_loop3A_169 {strides = array<i32>} : memref<16768xf32, #tpu.memory_space<vmem>>, vector<16xf32>,
      } {sc.loop_unroll_factor = 8 : i64, sc.parallel_access}
      %mul3A_123 = arith.constant 16768 : i32
      %mul3A_124 = arith.muli %add3A_99, %mul3A_123 : i32
      %add3A_125 = arith.addi %mul3A_4, %mul3A_124 : i32
      %dma_start3A_126 = arith.constant 16768 : i32
      %dma_start3A_127 = tpu.memref_slice %arg7[%dma_start3A_126] : memref<33536xf32, #tpu.memory_space<vmem>> -> memref<16768xf32, #tpu.memory_space<vmem>>
      %dma_start3A_128 = tpu.memref_slice %arg4[%add3A_125] : memref<4294967xf32, #tpu.memory_space<hbm>> -> memref<16768xf32, #tpu.memory_space<hbm>>
      %dma_start3A_129 = tpu.memref_slice %arg4[%add3A_125] : memref<4294967xf32, #tpu.memory_space<hbm>> -> memref<16768xf32, #tpu.memory_space<hbm>>
      %dma_start3A_130 = arith.constant 16768 : i32
      %dma_start3A_131 = tpu.memref_slice %arg7[%dma_start3A_130] : memref<33536xf32, #tpu.memory_space<vmem>> -> memref<16768xf32, #tpu.memory_space<vmem>>
      tpu.enqueue_dma source(%dma_start3A_131 : memref<16768xf32, #tpu.memory_space<vmem>>) target(%dma_start3A_129 : memref<16768xf32, #tpu.memory_space<hbm>>) target_semaphore(%arg10 : memref<!tpu.dma_semaphore, #tpu.memory_space<semaphore_mem>>)
      %add3A_132 = arith.constant 2 : i32
      %add3A_133 = arith.addi %add3A_99, %add3A_132 : i32
      %lt3A_134 = arith.constant 8 : i32
      %lt3A_135 = arith.cmpi slt, %add3A_133, %lt3A_134 : i32
      %convert_element_type3A_136 = arith.extui %lt3A_135 : i1 to i32
      %cond3A_137 = arith.constant 0 : i32
      %cond3A_138 = arith.cmpi ne, %convert_element_type3A_136, %cond3A_137 : i32
      scf.if %cond3A_138 {
        %add3A_139 = arith.constant 2 : i32
        %add3A_140 = arith.addi %add3A_99, %add3A_139 : i32
        %mul3A_141 = arith.constant 16768 : i32
        %mul3A_142 = arith.muli %add3A_140, %mul3A_141 : i32
        %add3A_143 = arith.addi %mul3A_4, %mul3A_142 : i32
        %dma_start3A_144 = arith.constant 16768 : i32
        %dma_start3A_145 = tpu.memref_slice %arg5[%dma_start3A_144] : memref<33536xf32, #tpu.memory_space<vmem>> -> memref<16768xf32, #tpu.memory_space<vmem>>
        %dma_start3A_146 = tpu.memref_slice %arg2[%add3A_143] : memref<4294967xf32, #tpu.memory_space<hbm>> -> memref<16768xf32, #tpu.memory_space<hbm>>
        %dma_start3A_147 = arith.constant 16768 : i32
        %dma_start3A_148 = tpu.memref_slice %arg5[%dma_start3A_147] : memref<33536xf32, #tpu.memory_space<vmem>> -> memref<16768xf32, #tpu.memory_space<vmem>>
        %dma_start3A_149 = tpu.memref_slice %arg2[%add3A_143] : memref<4294967xf32, #tpu.memory_space<hbm>> -> memref<16768xf32, #tpu.memory_space<hbm>>
        tpu.enqueue_dma source(%dma_start3A_149 : memref<16768xf32, #tpu.memory_space<hbm>>) target(%dma_start3A_148 : memref<16768xf32, #tpu.memory_space<vmem>>) target_semaphore(%arg8 : memref<!tpu.dma_semaphore, #tpu.memory_space<semaphore_mem>>)
        %dma_start3A_150 = arith.constant 16768 : i32
        %dma_start3A_151 = tpu.memref_slice %arg6[%dma_start3A_150] : memref<33536xf32, #tpu.memory_space<vmem>> -> memref<16768xf32, #tpu.memory_space<vmem>>
        %dma_start3A_152 = tpu.memref_slice %arg3[%add3A_143] : memref<4294967xf32, #tpu.memory_space<hbm>> -> memref<16768xf32, #tpu.memory_space<hbm>>
        %dma_start3A_153 = arith.constant 16768 : i32
        %dma_start3A_154 = tpu.memref_slice %arg6[%dma_start3A_153] : memref<33536xf32, #tpu.memory_space<vmem>> -> memref<16768xf32, #tpu.memory_space<vmem>>
        %dma_start3A_155 = tpu.memref_slice %arg3[%add3A_143] : memref<4294967xf32, #tpu.memory_space<hbm>> -> memref<16768xf32, #tpu.memory_space<hbm>>
        tpu.enqueue_dma source(%dma_start3A_155 : memref<16768xf32, #tpu.memory_space<hbm>>) target(%dma_start3A_154 : memref<16768xf32, #tpu.memory_space<vmem>>) target_semaphore(%arg9 : memref<!tpu.dma_semaphore, #tpu.memory_space<semaphore_mem>>)
      } else {
      }
    }
    %scan3A_35 = arith.constant 4 : i32
    %add3A_36 = arith.constant 100608 : i32
    %add3A_37 = arith.addi %mul3A_4, %add3A_36 : i32
    %dma_wait3A = arith.constant 0 : i32
    %dma_wait3A_38 = tpu.memref_slice %arg7[%dma_wait3A] : memref<33536xf32, #tpu.memory_space<vmem>> -> memref<16768xf32, #tpu.memory_space<vmem>>
    %dma_wait3A_39 = tpu.memref_slice %arg4[%add3A_37] : memref<4294967xf32, #tpu.memory_space<hbm>> -> memref<16768xf32, #tpu.memory_space<hbm>>
    %dma_wait3A_40 = tpu.memref_slice %arg4[%add3A_37] : memref<4294967xf32, #tpu.memory_space<hbm>> -> memref<16768xf32, #tpu.memory_space<hbm>>
    %dma_wait3A_41 = arith.constant 0 : i32
    %dma_wait3A_42 = tpu.memref_slice %arg7[%dma_wait3A_41] : memref<33536xf32, #tpu.memory_space<vmem>> -> memref<16768xf32, #tpu.memory_space<vmem>>
    tpu.wait_dma2 semaphore(%arg10 : memref<!tpu.dma_semaphore, #tpu.memory_space<semaphore_mem>>) src(%dma_wait3A_42 : memref<16768xf32, #tpu.memory_space<vmem>>) dst(%dma_wait3A_40 : memref<16768xf32, #tpu.memory_space<hbm>>)
    %add3A_43 = arith.constant 117376 : i32
    %add3A_44 = arith.addi %mul3A_4, %add3A_43 : i32
    %dma_wait3A_45 = arith.constant 16768 : i32
    %dma_wait3A_46 = tpu.memref_slice %arg7[%dma_wait3A_45] : memref<33536xf32, #tpu.memory_space<vmem>> -> memref<16768xf32, #tpu.memory_space<vmem>>
    %dma_wait3A_47 = tpu.memref_slice %arg4[%add3A_44] : memref<4294967xf32, #tpu.memory_space<hbm>> -> memref<16768xf32, #tpu.memory_space<hbm>>
    %dma_wait3A_48 = tpu.memref_slice %arg4[%add3A_44] : memref<4294967xf32, #tpu.memory_space<hbm>> -> memref<16768xf32, #tpu.memory_space<hbm>>
    %dma_wait3A_49 = arith.constant 16768 : i32
    %dma_wait3A_50 = tpu.memref_slice %arg7[%dma_wait3A_49] : memref<33536xf32, #tpu.memory_space<vmem>> -> memref<16768xf32, #tpu.memory_space<vmem>>
    tpu.wait_dma2 semaphore(%arg10 : memref<!tpu.dma_semaphore, #tpu.memory_space<semaphore_mem>>) src(%dma_wait3A_50 : memref<16768xf32, #tpu.memory_space<vmem>>) dst(%dma_wait3A_48 : memref<16768xf32, #tpu.memory_space<hbm>>)
    %eq3A = arith.constant 0 : i32
    %eq3A_51 = arith.cmpi eq, %add3A, %eq3A : i32
    %convert_element_type3A = arith.extui %eq3A_51 : i1 to i32
    %cond3A = arith.constant 0 : i32
    %cond3A_52 = arith.cmpi ne, %convert_element_type3A, %cond3A : i32
    scf.if %cond3A_52 {
      "tpu.region"() ({
        %run_scoped3A = tpu.sem_alloc : memref<!tpu.dma_semaphore, #tpu.memory_space<semaphore_mem>>
        %dma_start3A_55 = arith.constant 0 : i32
        %dma_start3A_56 = tpu.memref_slice %arg5[%dma_start3A_55] : memref<33536xf32, #tpu.memory_space<vmem>> -> memref<2359xf32, #tpu.memory_space<vmem>>
        %dma_start3A_57 = arith.constant 4292608 : i32
        %dma_start3A_58 = tpu.memref_slice %arg2[%dma_start3A_57] : memref<4294967xf32, #tpu.memory_space<hbm>> -> memref<2359xf32, #tpu.memory_space<hbm>>
        %dma_start3A_59 = arith.constant 0 : i32
        %dma_start3A_60 = tpu.memref_slice %arg5[%dma_start3A_59] : memref<33536xf32, #tpu.memory_space<vmem>> -> memref<2359xf32, #tpu.memory_space<vmem>>
        %dma_start3A_61 = arith.constant 4292608 : i32
        %dma_start3A_62 = tpu.memref_slice %arg2[%dma_start3A_61] : memref<4294967xf32, #tpu.memory_space<hbm>> -> memref<2359xf32, #tpu.memory_space<hbm>>
        tpu.enqueue_dma source(%dma_start3A_62 : memref<2359xf32, #tpu.memory_space<hbm>>) target(%dma_start3A_60 : memref<2359xf32, #tpu.memory_space<vmem>>) target_semaphore(%run_scoped3A : memref<!tpu.dma_semaphore, #tpu.memory_space<semaphore_mem>>)
        %dma_wait3A_63 = arith.constant 0 : i32
        %dma_wait3A_64 = tpu.memref_slice %arg5[%dma_wait3A_63] : memref<33536xf32, #tpu.memory_space<vmem>> -> memref<2359xf32, #tpu.memory_space<vmem>>
        %dma_wait3A_65 = arith.constant 4292608 : i32
        %dma_wait3A_66 = tpu.memref_slice %arg2[%dma_wait3A_65] : memref<4294967xf32, #tpu.memory_space<hbm>> -> memref<2359xf32, #tpu.memory_space<hbm>>
        %dma_wait3A_67 = arith.constant 0 : i32
        %dma_wait3A_68 = tpu.memref_slice %arg5[%dma_wait3A_67] : memref<33536xf32, #tpu.memory_space<vmem>> -> memref<2359xf32, #tpu.memory_space<vmem>>
        %dma_wait3A_69 = arith.constant 4292608 : i32
        %dma_wait3A_70 = tpu.memref_slice %arg2[%dma_wait3A_69] : memref<4294967xf32, #tpu.memory_space<hbm>> -> memref<2359xf32, #tpu.memory_space<hbm>>
        tpu.wait_dma2 semaphore(%run_scoped3A : memref<!tpu.dma_semaphore, #tpu.memory_space<semaphore_mem>>) src(%dma_wait3A_70 : memref<2359xf32, #tpu.memory_space<hbm>>) dst(%dma_wait3A_68 : memref<2359xf32, #tpu.memory_space<vmem>>)
        tpu.yield
      }) : () -> ()
      "tpu.region"() ({
        %run_scoped3A = tpu.sem_alloc : memref<!tpu.dma_semaphore, #tpu.memory_space<semaphore_mem>>
        %dma_start3A_55 = arith.constant 0 : i32
        %dma_start3A_56 = tpu.memref_slice %arg6[%dma_start3A_55] : memref<33536xf32, #tpu.memory_space<vmem>> -> memref<2359xf32, #tpu.memory_space<vmem>>
        %dma_start3A_57 = arith.constant 4292608 : i32
        %dma_start3A_58 = tpu.memref_slice %arg3[%dma_start3A_57] : memref<4294967xf32, #tpu.memory_space<hbm>> -> memref<2359xf32, #tpu.memory_space<hbm>>
        %dma_start3A_59 = arith.constant 0 : i32
        %dma_start3A_60 = tpu.memref_slice %arg6[%dma_start3A_59] : memref<33536xf32, #tpu.memory_space<vmem>> -> memref<2359xf32, #tpu.memory_space<vmem>>
        %dma_start3A_61 = arith.constant 4292608 : i32
        %dma_start3A_62 = tpu.memref_slice %arg3[%dma_start3A_61] : memref<4294967xf32, #tpu.memory_space<hbm>> -> memref<2359xf32, #tpu.memory_space<hbm>>
        tpu.enqueue_dma source(%dma_start3A_62 : memref<2359xf32, #tpu.memory_space<hbm>>) target(%dma_start3A_60 : memref<2359xf32, #tpu.memory_space<vmem>>) target_semaphore(%run_scoped3A : memref<!tpu.dma_semaphore, #tpu.memory_space<semaphore_mem>>)
        %dma_wait3A_63 = arith.constant 0 : i32
        %dma_wait3A_64 = tpu.memref_slice %arg6[%dma_wait3A_63] : memref<33536xf32, #tpu.memory_space<vmem>> -> memref<2359xf32, #tpu.memory_space<vmem>>
        %dma_wait3A_65 = arith.constant 4292608 : i32
        %dma_wait3A_66 = tpu.memref_slice %arg3[%dma_wait3A_65] : memref<4294967xf32, #tpu.memory_space<hbm>> -> memref<2359xf32, #tpu.memory_space<hbm>>
        %dma_wait3A_67 = arith.constant 0 : i32
        %dma_wait3A_68 = tpu.memref_slice %arg6[%dma_wait3A_67] : memref<33536xf32, #tpu.memory_space<vmem>> -> memref<2359xf32, #tpu.memory_space<vmem>>
        %dma_wait3A_69 = arith.constant 4292608 : i32
        %dma_wait3A_70 = tpu.memref_slice %arg3[%dma_wait3A_69] : memref<4294967xf32, #tpu.memory_space<hbm>> -> memref<2359xf32, #tpu.memory_space<hbm>>
        tpu.wait_dma2 semaphore(%run_scoped3A : memref<!tpu.dma_semaphore, #tpu.memory_space<semaphore_mem>>) src(%dma_wait3A_70 : memref<2359xf32, #tpu.memory_space<hbm>>) dst(%dma_wait3A_68 : memref<2359xf32, #tpu.memory_space<vmem>>)
        tpu.yield
      }) : () -> ()
      %parallel_loop3A = arith.constant 0 : i32
      %parallel_loop3A_53 = arith.constant 148 : i32
      %parallel_loop3A_54 = arith.constant 1 : i32
      scf.for %parallel_loop3A_55 = %parallel_loop3A to %parallel_loop3A_53 step %parallel_loop3A_54  : i32 {
        %parallel_loop3A_56 = arith.constant 16 : i32
        %parallel_loop3A_57 = arith.muli %parallel_loop3A_55, %parallel_loop3A_56 : i32
        %parallel_loop3A_58 = arith.index_cast %parallel_loop3A_57 : i32 to index
        %parallel_loop3A_59 = tpu.vector_load %arg6[%parallel_loop3A_58] {strides = array<i32>} : memref<33536xf32, #tpu.memory_space<vmem>>, vector<16xf32>,
        %parallel_loop3A_60 = vector.shape_cast %parallel_loop3A_59 : vector<16xf32> to vector<16xf32>
        %parallel_loop3A_61 = arith.constant 5.000000e-01 : f32
        %parallel_loop3A_62 = vector.broadcast %parallel_loop3A_61 : f32 to vector<16xf32>
        %parallel_loop3A_63 = arith.addf %parallel_loop3A_60, %parallel_loop3A_62 : vector<16xf32>
        %parallel_loop3A_64 = arith.constant 1.000000e+00 : f32
        %parallel_loop3A_65 = vector.broadcast %parallel_loop3A_64 : f32 to vector<16xf32>
        %parallel_loop3A_66 = arith.cmpf oge, %parallel_loop3A_63, %parallel_loop3A_65 : vector<16xf32>
        %parallel_loop3A_67 = arith.constant 2.000000e+00 : f32
        %parallel_loop3A_68 = arith.constant 0.000000e+00 : f32
        %parallel_loop3A_69 = vector.broadcast %parallel_loop3A_67 : f32 to vector<16xf32>
        %parallel_loop3A_70 = vector.broadcast %parallel_loop3A_68 : f32 to vector<16xf32>
        %parallel_loop3A_71 = arith.select %parallel_loop3A_66, %parallel_loop3A_69, %parallel_loop3A_70 : vector<16xi1>, vector<16xf32>
        %parallel_loop3A_72 = arith.index_cast %parallel_loop3A_57 : i32 to index
        %parallel_loop3A_73 = tpu.vector_load %arg5[%parallel_loop3A_72] {strides = array<i32>} : memref<33536xf32, #tpu.memory_space<vmem>>, vector<16xf32>,
        %parallel_loop3A_74 = vector.shape_cast %parallel_loop3A_73 : vector<16xf32> to vector<16xf32>
        %parallel_loop3A_75 = arith.mulf %parallel_loop3A_74, %parallel_loop3A_71 : vector<16xf32>
        %parallel_loop3A_76 = arith.index_cast %parallel_loop3A_57 : i32 to index
        %parallel_loop3A_77 = tpu.vector_load %arg7[%parallel_loop3A_76] {strides = array<i32>} : memref<33536xf32, #tpu.memory_space<vmem>>, vector<16xf32>,
        %parallel_loop3A_78 = vector.shape_cast %parallel_loop3A_77 : vector<16xf32> to vector<16xf32>
        %parallel_loop3A_79 = vector.shape_cast %parallel_loop3A_75 : vector<16xf32> to vector<16xf32>
        tpu.vector_store %arg7[%parallel_loop3A_76], %parallel_loop3A_79 {strides = array<i32>} : memref<33536xf32, #tpu.memory_space<vmem>>, vector<16xf32>,
      } {sc.loop_unroll_factor = 4 : i64, sc.parallel_access}
      "tpu.region"() ({
        %run_scoped3A = tpu.sem_alloc : memref<!tpu.dma_semaphore, #tpu.memory_space<semaphore_mem>>
        %dma_start3A_55 = arith.constant 0 : i32
        %dma_start3A_56 = tpu.memref_slice %arg7[%dma_start3A_55] : memref<33536xf32, #tpu.memory_space<vmem>> -> memref<2359xf32, #tpu.memory_space<vmem>>
        %dma_start3A_57 = arith.constant 4292608 : i32
        %dma_start3A_58 = tpu.memref_slice %arg4[%dma_start3A_57] : memref<4294967xf32, #tpu.memory_space<hbm>> -> memref<2359xf32, #tpu.memory_space<hbm>>
        %dma_start3A_59 = arith.constant 4292608 : i32
        %dma_start3A_60 = tpu.memref_slice %arg4[%dma_start3A_59] : memref<4294967xf32, #tpu.memory_space<hbm>> -> memref<2359xf32, #tpu.memory_space<hbm>>
        %dma_start3A_61 = arith.constant 0 : i32
        %dma_start3A_62 = tpu.memref_slice %arg7[%dma_start3A_61] : memref<33536xf32, #tpu.memory_space<vmem>> -> memref<2359xf32, #tpu.memory_space<vmem>>
        tpu.enqueue_dma source(%dma_start3A_62 : memref<2359xf32, #tpu.memory_space<vmem>>) target(%dma_start3A_60 : memref<2359xf32, #tpu.memory_space<hbm>>) target_semaphore(%run_scoped3A : memref<!tpu.dma_semaphore, #tpu.memory_space<semaphore_mem>>)
        %dma_wait3A_63 = arith.constant 0 : i32
        %dma_wait3A_64 = tpu.memref_slice %arg7[%dma_wait3A_63] : memref<33536xf32, #tpu.memory_space<vmem>> -> memref<2359xf32, #tpu.memory_space<vmem>>
        %dma_wait3A_65 = arith.constant 4292608 : i32
        %dma_wait3A_66 = tpu.memref_slice %arg4[%dma_wait3A_65] : memref<4294967xf32, #tpu.memory_space<hbm>> -> memref<2359xf32, #tpu.memory_space<hbm>>
        %dma_wait3A_67 = arith.constant 4292608 : i32
        %dma_wait3A_68 = tpu.memref_slice %arg4[%dma_wait3A_67] : memref<4294967xf32, #tpu.memory_space<hbm>> -> memref<2359xf32, #tpu.memory_space<hbm>>
        %dma_wait3A_69 = arith.constant 0 : i32
        %dma_wait3A_70 = tpu.memref_slice %arg7[%dma_wait3A_69] : memref<33536xf32, #tpu.memory_space<vmem>> -> memref<2359xf32, #tpu.memory_space<vmem>>
        tpu.wait_dma2 semaphore(%run_scoped3A : memref<!tpu.dma_semaphore, #tpu.memory_space<semaphore_mem>>) src(%dma_wait3A_70 : memref<2359xf32, #tpu.memory_space<vmem>>) dst(%dma_wait3A_68 : memref<2359xf32, #tpu.memory_space<hbm>>)
        tpu.yield
      }) : () -> ()
    } else {
    }
    return
  }
}

module attributes {stable_mosaic.version = 14 : i64} {
  func.func @_copy_body(%arg0: i32, %arg1: memref<2x1048576xi32, #tpu.memory_space<vmem>>, %arg2: memref<2x1048576xi32, #tpu.memory_space<vmem>>) attributes {dimension_semantics = [#tpu.dimension_semantics<arbitrary>], iteration_bounds = array<i64: 5>, scalar_prefetch = 0 : i64, scratch_operands = 0 : i64, tpu.core_type = #tpu.core_type<tc>, window_params = [{transform_indices = @transform_0, window_bounds = array<i64: 2, 1048576>}, {transform_indices = @transform_1, window_bounds = array<i64: 2, 1048576>}]} {
    %get3A = arith.constant 0 : index
    %get3A_0 = arith.constant 0 : index
    %get3A_1 = vector.load %arg1[%get3A, %get3A_0] : memref<2x1048576xi32, #tpu.memory_space<vmem>>, vector<2x1048576xi32>
    %swap3A = arith.constant 0 : index
    %swap3A_2 = arith.constant 0 : index
    %swap3A_3 = vector.load %arg2[%swap3A, %swap3A_2] : memref<2x1048576xi32, #tpu.memory_space<vmem>>, vector<2x1048576xi32>
    tpu.vector_store %arg2[%swap3A, %swap3A_2], %get3A_1 {strides = array<i32>} : memref<2x1048576xi32, #tpu.memory_space<vmem>>, vector<2x1048576xi32>,
    return
  }
  func.func @transform_0(%arg0: i32) -> (i32, i32) {
    %c0_i32 = arith.constant 0 : i32
    %c0_i32_0 = arith.constant 0 : i32
    return %c0_i32, %arg0 : i32, i32
  }
  func.func @transform_1(%arg0: i32) -> (i32, i32) {
    %c0_i32 = arith.constant 0 : i32
    %c0_i32_0 = arith.constant 0 : i32
    return %c0_i32, %arg0 : i32, i32
  }
}

</mosaic_0001>

<sc_bundles>
// kernel: kernel.4.cloned.1.call-start
scs
__scs_entry_jumppad:
0x0: {  	(pc) =	sbr.rel $0x88, $3  }
0x1: {  	(tag) =	ssettag $0x0;
	lr =	simm.s32 $0x1  }
0x2: {  	[smem:$0x3F9E] =	sst lr;
	_ =	strace $0xD0000000  }
0x3: {  	_ = 	snop  }
0x4: {  	_ = 	snop  }
0x5: {  	_ = 	snop  }
0x6: {  	_ = 	snop  }
0x7: {  	_ = 	snop  }
__scs_overlays_trampoline_lowered:
0x8: {  	[smem:$0x3FAD] =	sst s0  }
0x9: {  	[smem:$0x3FAE] =	sst s1  }
0xa: {  	[smem:$0x3FAF] =	sst s2  }
0xb: {  	[smem:$0x3FB0] =	sst s3  }
0xc: {  	[smem:$0x3FB1] =	sst s4  }
0xd: {  	[smem:$0x3FB2] =	sst s5  }
0xe: {  	[smem:$0x3FB3] =	sst s6  }
0xf: {  	[smem:$0x3FB4] =	sst s7  }
0x10: {  	[smem:$0x3FB5] =	sst s8  }
0x11: {  	[smem:$0x3FB6] =	sst s9;
	s0 =	simm.s32 @!p0 $0x0  }
0x12: {  	s1 =	sld [smem:$0x3F9C];
	s0 =	simm.s32 @p0 $0x1  }
0x13: {  	[smem:$0x3FB7] =	sst s0;
	s0 =	simm.s32 @!p1 $0x0  }
0x14: {  	s2 =	sld [smem:$0x3F9B];
	s0 =	simm.s32 @p1 $0x1  }
0x15: {  	[smem:$0x3FB8] =	sst s0;
	s0 =	simm.s32 @!p2 $0x0  }
0x16: {  	s3 =	sld [smem:$0x3FDB];
	s0 =	simm.s32 @p2 $0x1  }
0x17: {  	s4 =	simm.s32 $0x1BF5;
	[smem:$0x3FBA] =	sst s0  }
0x18: {  	s0 =	sld [smem:$0x3F9D];
	_ =	swait.ge [sflag:s4], $0x0  }
0x19: {  	s7 =	sld [smem:$0x3F9E]  }
0x1a: {  	s8 =	sadd.s32 $0xFFFFE003, lr  }
0x1b: {  	s9 =	sadd.s32 $0xFFFFFEF7, lr;
	s5 =	simm.s32 $0xFFFFFFFF;
	p2 =	slt.u32 s8, $0xFFFFF086  }
0x1c: {  	p1 =	slt.u32 s9, $0xF7A;
	s5 =	simm.s32 @!p2 $0x0  }
0x1d: {  	s5 =	simm.s32 @p1 $0x1;
	p0 =	seq.s32 s7, s2  }
0x1e: {  	s7 =	smul.u32 @!p0 $0xF7A, s2;
	p2 =	seq.s32 @!p0 s5, $0x0  }
0x1f: {  	s9 =	smul.u32 $0xF7A, s1;
	s8 =	simm.s32 @!p0 $0x1BF5;
	p2 =	por !p2, p0  }
0x20: {  	[sflag:s8] =	ssyncset.s32 @!p0 $0xFFFFF086;
	s6 =	sadd.s32 @!p0 s3, s7;
	s7 =	simm.s32 @!p0 $0x108  }
0x21: {  	s3 =	sadd.s32 s3, s9;
	s6 =	sadd.s32 @!p0 $0x88, s6;
	s7 =	simm.s32 @p2 $0x1082  }
0x22: {  	[simem:s7], [sflag:s8] =	dma.local @!p0 [hbm:s6], $0xF7A  }
0x23: {  	s9 =	sor.u32 $0xD0000000, s2;
	s6 =	simm.s32 $0x108;
	_ =	swait.ge @!p0 [sflag:s8], $0x0  }
0x24: {  	s3 =	sadd.s32 $0x88, s3;
	s6 =	simm.s32 @!p1 $0x1082;
	[sflag:s4] =	ssyncset.s32 $0xFFFFF086  }
0x25: {  	[simem:s6], [sflag:s4] =	dma.local [hbm:s3], $0xF7A  }
0x26: {  	[smem:$0x3F9E] =	sst s1;
	(tag) =	ssettag s2;
	_ =	strace s9  }
0x27: {  	s1 =	sld [smem:$0x3FAE]  }
0x28: {  	s2 =	sld [smem:$0x3FAF]  }
0x29: {  	s4 =	sld [smem:$0x3FB1]  }
0x2a: {  	p0 =	seq.s32 s5, $0x0;
	s5 =	sld [smem:$0x3FB2]  }
0x2b: {  	s6 =	sld [smem:$0x3FB3]  }
0x2c: {  	s7 =	sld [smem:$0x3FB4]  }
0x2d: {  	s3 =	simm.s32 $0x108;
	s8 =	sld [smem:$0x3FB5]  }
0x2e: {  	s3 =	simm.s32 @!p0 $0x1082;
	s9 =	sld [smem:$0x3FB6]  }
0x2f: {  	lr =	sadd.s32 s0, s3;
	s0 =	sld [smem:$0x3FAD]  }
0x30: {  	s3 =	sld [smem:$0x3FB0]  }
0x31: {  	[smem:$0x3FB9] =	sst s10  }
0x32: {  	s10 =	sld [smem:$0x3FB7];
	_ =	sdelay $0x3  }
0x33: {  	p0 =	seq.s32 s10, $0x1;
	s10 =	sld [smem:$0x3FB9];
	_ =	sdelay $0x3  }
0x34: {  	[smem:$0x3FB9] =	sst s10  }
0x35: {  	s10 =	sld [smem:$0x3FB8];
	_ =	sdelay $0x3  }
0x36: {  	p1 =	seq.s32 s10, $0x1;
	s10 =	sld [smem:$0x3FB9];
	_ =	sdelay $0x3  }
0x37: {  	[smem:$0x3FB9] =	sst s10  }
0x38: {  	s10 =	sld [smem:$0x3FBA]  }
0x39: {  	_ = 	snop;
	(pc) =	sbr.ind lr, $3  }
0x3a: {  	_ = 	snop  }
0x3b: {  	_ = 	snop  }
0x3c: {  	p2 =	seq.s32 s10, $0x1;
	s10 =	sld [smem:$0x3FB9]  }
0x3d: {  	_ =	shalt  }
0x3e: {  	_ =	shalt  }
0x3f: {  	_ =	shalt  }
0x40: {  	_ =	shalt  }
0x41: {  	_ =	shalt  }
0x42: {  	_ =	shalt  }
0x43: {  	_ =	shalt  }
0x44: {  	_ =	shalt  }
0x45: {  	_ =	shalt  }
0x46: {  	_ =	shalt  }
0x47: {  	_ =	shalt  }
0x48: {  	_ =	shalt  }
0x49: {  	_ =	shalt  }
0x4a: {  	_ =	shalt  }
0x4b: {  	_ =	shalt  }
0x4c: {  	_ =	shalt  }
0x4d: {  	_ =	shalt  }
0x4e: {  	_ =	shalt  }
0x4f: {  	_ =	shalt  }
0x50: {  	_ =	shalt  }
0x51: {  	_ =	shalt  }
0x52: {  	_ =	shalt  }
0x53: {  	_ =	shalt  }
0x54: {  	_ =	shalt  }
0x55: {  	_ =	shalt  }
0x56: {  	_ =	shalt  }
0x57: {  	_ =	shalt  }
0x58: {  	_ =	shalt  }
0x59: {  	_ =	shalt  }
0x5a: {  	_ =	shalt  }
0x5b: {  	_ =	shalt  }
0x5c: {  	_ =	shalt  }
0x5d: {  	_ =	shalt  }
0x5e: {  	_ =	shalt  }
0x5f: {  	_ =	shalt  }
0x60: {  	_ =	shalt  }
0x61: {  	_ =	shalt  }
0x62: {  	_ =	shalt  }
0x63: {  	_ =	shalt  }
0x64: {  	_ =	shalt  }
0x65: {  	_ =	shalt  }
0x66: {  	_ =	shalt  }
0x67: {  	_ =	shalt  }
0x68: {  	_ =	shalt  }
0x69: {  	_ =	shalt  }
0x6a: {  	_ =	shalt  }
0x6b: {  	_ =	shalt  }
0x6c: {  	_ =	shalt  }
0x6d: {  	_ =	shalt  }
0x6e: {  	_ =	shalt  }
0x6f: {  	_ =	shalt  }
0x70: {  	_ =	shalt  }
0x71: {  	_ =	shalt  }
0x72: {  	_ =	shalt  }
0x73: {  	_ =	shalt  }
0x74: {  	_ =	shalt  }
0x75: {  	_ =	shalt  }
0x76: {  	_ =	shalt  }
0x77: {  	_ =	shalt  }
0x78: {  	_ =	shalt  }
0x79: {  	_ =	shalt  }
0x7a: {  	_ =	shalt  }
0x7b: {  	_ =	shalt  }
0x7c: {  	_ =	shalt  }
0x7d: {  	_ =	shalt  }
0x7e: {  	_ =	shalt  }
0x7f: {  	_ =	shalt  }
0x80: {  	_ =	shalt  }
0x81: {  	_ =	shalt  }
0x82: {  	_ =	shalt  }
0x83: {  	_ =	shalt  }
0x84: {  	_ =	shalt  }
0x85: {  	_ =	shalt  }
0x86: {  	_ =	shalt  }
0x87: {  	_ =	shalt  }
.Lfunc_end0:
.L_simem_size_0:
called_computation_lowered:
.L_overlay_start_0:
0x88: {  	s2 =	sld [smem:$0x3FD9]  }
0x89: {  	s3 =	sld [smem:$0x3FFE];
	_ =	sdelay $0x1  }
0x8a: {  	s1 =	srdreg.scid  }
0x8b: {  	s0 =	sand.u32 $0x1, s1  }
0x8c: {  	s15 =	sshll.u32 s0, $0xA;
	s2 =	sadd.s32 s3, s2  }
0x8d: {  	s2 =	sadd.s32 s2, s15  }
0x8e: {  	[smem:$0x3FC5] =	sst s2  }
0x8f: {  	_ = 	snop  }
0x90: {  	s2 =	sld [smem:$0x3FD0];
	_ =	sdelay $0x1  }
0x91: {  	s16 =	sld [smem:$0x3FC8]  }
0x92: {  	s5 =	simm.s32 $0xA;
	s6 =	simm.s32 $0x10;
	s4 =	sld [smem:$0x3FC7]  }
0x93: {  	[smem:s6], [sflag:s5] =	dma.local [hbm:s2], $0x1  }
0x94: {  	_ =	swait.eq [sflag:s5], $0x1  }
0x95: {  	[sflag:s5] =	ssyncset.done $0x0  }
0x96: {  	[sflag:s5] =	ssyncadd.s32 $0xFFFFFFFF  }
0x97: {  	s17 =	sld [smem:$0x11];
	(tm) =	ssettm $0x1  }
0x98: {  	s18 =	sld [smem:$0x3FFB];
	_ =	sdelay $0x3  }
0x99: {  	_ =	strace s18  }
0x9a: {  	s5 =	sld [smem:$0x3FFC];
	_ =	sdelay $0x3  }
0x9b: {  	_ =	strace s5  }
0x9c: {  	s5 =	sld [smem:$0x3FFD];
	_ =	sdelay $0x3  }
0x9d: {  	_ =	strace s5  }
0x9e: {  	_ =	strace $0x8FFFFFFF  }
0x9f: {  	s19 =	sld [smem:$0x3FDB];
	_ =	sdelay $0x1  }
0xa0: {  	s20 =	simm.s32 $_scs_section_size  }
0xa1: {  	s7 =	simm.s32 $_size__tile_overlayer_lowered;
	s8 =	simm.s32 $_tile_overlayer_lowered  }
0xa2: {  	s23 =	simm.s32 $0x1BFF;
	s22 =	sshll.u32 s8, $0x1;
	s5 =	sadd.s32 s20, s19  }
0xa3: {  	s9 =	simm.s32 $0x0;
	s21 =	sshll.u32 s7, $0x1;
	s7 =	sadd.s32 s22, s5  }
0xa4: {  	[timem:s9], [sflag:s23] =	dma.local [hbm:s7], s21  }
0xa5: {  	_ =	swait.ge [sflag:s23], s21  }
0xa6: {  	s6 =	ssub.s32 $0x0, s21;
	[sflag:s23] =	ssyncset.done $0x0  }
0xa7: {  	[sflag:s23] =	ssyncadd.s32 s6;
	_ =	sdelay $0x1  }
0xa8: {  	s24 =	simm.s32 $0x1B8B  }
0xa9: {  	_ =	swait.ge [sflag:s24], $0x1  }
0xaa: {  	[sflag:s24] =	ssyncset.done $0x0  }
0xab: {  	s25 =	simm.s32 $0x1B8E;
	[sflag:s24] =	ssyncadd.s32 $0xFFFFFFFF  }
0xac: {  	s26 =	simm.s32 $execute0_lowered;
	[smem:$0x3FD2] =	sst s25  }
0xad: {  	s6 =	sshll.u32 s26, $0x1;
	_ =	strace $0x80000046;
	[dreg:$0x1] =	wrdreg $0xFFFFFFFF  }
0xae: {  	s28 =	simm.s32 $_size_execute0_lowered;
	s5 =	sadd.s32 s5, s6;
	[dreg:$0x0] =	wrdreg $0x0  }
0xaf: {  	s6 =	sshll.u32 s28, $0x1;
	[dreg:$0x2] =	wrdreg s5  }
0xb0: {  	[dreg:$0x3] =	wrdreg s6  }
0xb1: {  	[dreg:$0x4] =	wrdreg $0xC0  }
0xb2: {  	_ =	task [dreg:s9], $0x5FFFF  }
0xb3: {  	[dreg:$0x1] =	wrdreg $0xFFFFFFFF  }
0xb4: {  	[dreg:$0x0] =	wrdreg $0x60  }
0xb5: {  	[dreg:$0x2] =	wrdreg s16  }
0xb6: {  	[dreg:$0x3] =	wrdreg s4  }
0xb7: {  	[dreg:$0x4] =	wrdreg s17  }
0xb8: {  	[dreg:$0x5] =	wrdreg $0x9  }
0xb9: {  	_ =	task.clear_ibuf [dreg:s9], $0x6FFFF;
	_ =	strace $0x90000046  }
0xba: {  	s29 =	simm.s32 $0x9;
	_ =	strace $0x80000048  }
0xbb: {  	_ =	swait.ge [sflag:s29], $0x1  }
0xbc: {  	[sflag:s29] =	ssyncadd.s32 $0xFFFFFFFF  }
0xbd: {  	_ =	strace $0x90000048  }
0xbe: {  	_ =	sfence  }
0xbf: {  	s30 =	sld [smem:$0x0];
	_ =	sdelay $0x2  }
0xc0: {  	s31 =	sshll.u32 s1, $0xD;
	s1 =	sshrl.u32 s1, $0x2  }
0xc1: {  	s3 =	sand.u32 $0x4000, s31;
	s1 =	sadd.s32 s1, s30  }
0xc2: {  	s0 =	sor.u32 s3, s0;
	s1 =	sshll.u32 s1, $0x11  }
0xc3: {  	s0 =	sor.u32 s1, s0  }
0xc4: {  	s0 =	sadd.s32 $0x8F2B, s0  }
0xc5: {  	[sflag:s0] =	ssyncadd.remote.s32 $0x1  }
0xc6: {  	_ =	sfence.sel $0xFFFF  }
0xc7: {  	[dreg:$0x0] =	wrdreg $0xFFFFFFFF;
	(pc) =	sbr.abs _section_cstart, $3  }
0xc8: {  	[dreg:$0x1] =	wrdreg $0xFFFFFFFF  }
0xc9: {  	_ =	task.clear_ibuf [dreg:s9], $0x2FFFF;
	_ =	strace $0x9FFFFFFF  }
0xca: {  	(tm) =	ssettm $0x7FFFFFFF  }
0xcb: {  	_ =	shalt  }
tec
execute0_lowered:
.L_overlay_start_1:
0x0: {  	(tag) =	ssettag $0x1  }
0x1: {  	s1 =	rddreg [dreg:$0x0]  }
0x2: {  	s0 =	srdreg.scid;
	s3 =	rddreg [dreg:$0x1]  }
0x3: {  	s2 =	stileid.u32;
	s4 =	rddreg [dreg:$0x2];
	s5 =	simm.s32 $0x0  }
0x4: {  	s18 =	simm.s32 $0x8300;
	s19 =	simm.s32 $0x4180;
	s20 =	simm.s32 $0xC480  }
0x5: {  	s21 =	simm.s32 $0x1;
	s22 =	simm.s32 $0x2;
	s23 =	simm.s32 $0x10600  }
0x6: {  	s24 =	simm.s32 $0x14780;
	s25 =	simm.s32 $0x3;
	s26 =	simm.s32 $0x4  }
0x7: {  	s28 =	simm.s32 $0x0;
	s0 =	sand.u32 $0x1, s0;
	s2 =	sshll.u32 s2, $0x1  }
0x8: {  	[smem:$0x7FF] =	sst s5;
	s14 =	sadd.s32 $0x83000, s1;
	s31 =	sadd.s32 $0x83000, s3  }
0x9: {  	s16 =	sadd.s32 $0x83000, s4;
	s2 =	sor.u32 s0, s2;
	s0 =	ssub.s32 $0x2, s0  }
0xa: {  	_ =	strace $0x80000047;
	[dreg:$0x4] =	wrdreg s14;
	s6 =	smul.u32 $0x20C00, s2  }
.Ltmp0:
0xb: {  	[dreg:$0x5] =	wrdreg s31;
	s8 =	sshrl.u32 s0, $0x1;
	(pc) =	sbr.rel .LBB2_1-.Ltmp0, $4  }
0xc: {  	p0 =	sne.s32 s2, $0x0;
	s0 =	ssub.s32 s0, s8;
	s7 =	sadd.s32 $0x4180, s6  }
0xd: {  	s9 =	sshrl.u32 s6, $0x3;
	s12 =	sadd.s32 $0x8300, s6;
	s13 =	sadd.s32 $0xC480, s6  }
0xe: {  	s17 =	smax.u32 s0, $0x1;
	s11 =	sshrl.u32 s7, $0x3;
	s8 =	sadd.s32 s1, s9  }
0xf: {  	v0 =	vimm.f32 $0.0e+00;
	s9 =	sadd.s32 s3, s9;
	s10 =	sadd.s32 s1, s11;
	s11 =	sadd.s32 s3, s11  }
.LBB2_8:
0x10: {  	_ =	swait.ge [sflag:s25], $0x4180  }
.Ltmp1:
0x11: {  	[sflag:s25] =	ssyncset.done $0x0;
	(pc) =	sbr.rel @!p0 .LBB2_9-.Ltmp1, $4  }
0x12: {  	[sflag:s25] =	ssyncadd.s32 $0xFFFFBE80  }
0x13: {  	_ =	swait.ge [sflag:s25], $0x4180  }
0x14: {  	[sflag:s25] =	ssyncset.done $0x0  }
0x15: {  	[sflag:s25] =	ssyncadd.s32 $0xFFFFBE80  }
.LBB2_12:
0x16: {  	s28 =	sadd.s32 $0x1, s28  }
0x17: {  	p1 =	sne.s32 s28, s17  }
.Ltmp2:
0x18: {  	_ = 	snop;
	(pc) =	sbr.rel @!p1 .LBB2_13-.Ltmp2, $1  }
0x19: {  	_ =	sdelay $0x3  }
.LBB2_1:
0x1a: {  	[tilespmem:s5], [sflag:$0x1] =	stream.linear.gather [hbm4b:s8+s5], $0x4180, $0x38;
	[tilespmem:$0x18900] =	vst v63  }
0x1b: {  	_ = 	snop  }
0x1c: {  	[tilespmem:s18], [sflag:$0x2] =	stream.linear.gather [hbm4b:s9+s5], $0x4180, $0x38;
	[tilespmem:$0x18900] =	vst v63  }
0x1d: {  	_ = 	snop  }
0x1e: {  	[tilespmem:s19], [sflag:$0x1] =	stream.linear.gather [hbm4b:s10+s5], $0x4180, $0x38;
	[tilespmem:$0x18900] =	vst v63  }
0x1f: {  	s29 =	simm.s32 $0x0  }
0x20: {  	[tilespmem:s20], [sflag:$0x2] =	stream.linear.gather [hbm4b:s11+s5], $0x4180, $0x38;
	[tilespmem:$0x18900] =	vst v63  }
.LBB2_2:
0x21: {  	_ =	swait.ge [sflag:s21], $0x4180  }
0x22: {  	[sflag:s21] =	ssyncset.done $0x0  }
0x23: {  	[sflag:s21] =	ssyncadd.s32 $0xFFFFBE80  }
0x24: {  	_ =	swait.ge [sflag:s22], $0x4180  }
0x25: {  	p1 =	seq.s32 s29, $0x0;
	[sflag:s22] =	ssyncset.done $0x0  }
0x26: {  	s0 =	simm.s32 @!p1 $0x3;
	[sflag:s22] =	ssyncadd.s32 $0xFFFFBE80  }
0x27: {  	_ =	swait.ge @!p1 [sflag:s0], $0x4180  }
0x28: {  	[sflag:s0] =	ssyncset.done @!p1 $0x0  }
0x29: {  	s15 =	simm.s32 $0x8340;
	[sflag:s0] =	ssyncadd.s32 @!p1 $0xFFFFBE80  }
0x2a: {  	v1 =	vld [tilespmem:s15+$0x30]  }
0x2b: {  	v2 =	vld [tilespmem:s15+$0xFFFFFFD0]  }
0x2c: {  	v3 =	vld [tilespmem:s15+$0xFFFFFFE0]  }
0x2d: {  	v4 =	vld [tilespmem:s15+$0xFFFFFFF0]  }
0x2e: {  	v6 =	vld [tilespmem:s15+$0x0]  }
0x2f: {  	v7 =	vld [tilespmem:s15+$0x10]  }
0x30: {  	s31 =	simm.s32 $0x40;
	v8 =	vld [tilespmem:s15+$0x20]  }
0x31: {  	v5 =	vld [tilespmem:s31+$0x30]  }
0x32: {  	v9 =	vld [tilespmem:s15+$0xFFFFFFC0]  }
0x33: {  	v1 =	vadd.f32 $5.000000000e-01, v1;
	v2 =	vadd.f32 $5.000000000e-01, v2  }
0x34: {  	v3 =	vadd.f32 $5.000000000e-01, v3;
	v6 =	vadd.f32 $5.000000000e-01, v6  }
0x35: {  	v12 =	vld [tilespmem:s31+$0xFFFFFFD0];
	v7 =	vadd.f32 $5.000000000e-01, v7;
	v13 =	vadd.f32 $5.000000000e-01, v8;
	vm0 =	vge.f32 v1, $1.000000000e+00  }
0x36: {  	vm1 =	vge.f32 v2, $1.000000000e+00;
	v2 =	vadd.f32 $5.000000000e-01, v4;
	v1 =	vld [tilespmem:s31+$0xFFFFFFC0];
	v4 =	vsel vm0, $0x40000000, v0  }
0x37: {  	v14 =	vadd.f32 $5.000000000e-01, v9;
	vm0 =	vge.f32 v3, $1.000000000e+00;
	v11 =	vmul.f32 v4, v5;
	v4 =	vld [tilespmem:s31+$0xFFFFFFE0]  }
0x38: {  	v10 =	vsel vm1, $0x40000000, v0;
	vm1 =	vge.f32 v2, $1.000000000e+00;
	v3 =	vsel vm0, $0x40000000, v0;
	v5 =	vld [tilespmem:s31+$0xFFFFFFF0]  }
0x39: {  	s30 =	smul.u32 $0x8300, s29;
	vm0 =	vge.f32 v6, $1.000000000e+00;
	v6 =	vld [tilespmem:s31+$0x0];
	v2 =	vsel vm1, $0x40000000, v0;
	vm1 =	vge.f32 v7, $1.000000000e+00  }
0x3a: {  	s2 =	simm.s32 $0x10640;
	v9 =	vld [tilespmem:s31+$0x10];
	v12 =	vmul.f32 v10, v12;
	v7 =	vsel vm1, $0x40000000, v0;
	vm1 =	vge.f32 v13, $1.000000000e+00  }
0x3b: {  	s14 =	simm.s32 $0x0;
	s0 =	sadd.s32 s6, s30;
	s15 =	simm.s32 $0x83C0;
	v8 =	vsel vm0, $0x40000000, v0;
	vm0 =	vge.f32 v14, $1.000000000e+00;
	[tilespmem:s2+$0x30] =	vst v11;
	v11 =	vld [tilespmem:s31+$0x20];
	v10 =	vsel vm1, $0x40000000, v0  }
.LBB2_3:
0x3c: {  	v13 =	vld [tilespmem:s15+$0x30];
	s14 =	sadd.s32 $0x8, s14;
	v14 =	vsel vm0, $0x40000000, v0;
	v3 =	vmul.f32 v3, v4  }
0x3d: {  	v4 =	vld [tilespmem:s15+$0xFFFFFFD0];
	p2 =	slt.u32 s14, $0x410;
	v1 =	vmul.f32 v14, v1;
	[tilespmem:s2+$0xFFFFFFD0] =	vst v12;
	v2 =	vmul.f32 v2, v5  }
0x3e: {  	v5 =	vld [tilespmem:s15+$0xFFFFFFE0];
	[tilespmem:s2+$0xFFFFFFE0] =	vst v3;
	v3 =	vmul.f32 v8, v6  }
0x3f: {  	s31 =	sadd.s32 $0x80, s31;
	v6 =	vld [tilespmem:s15+$0xFFFFFFF0];
	[tilespmem:s2+$0xFFFFFFC0] =	vst v1;
	v1 =	vmul.f32 v7, v9  }
0x40: {  	v7 =	vld [tilespmem:s31+$0x30];
	[tilespmem:s2+$0xFFFFFFF0] =	vst v2;
	v2 =	vmul.f32 v10, v11  }
0x41: {  	v8 =	vld [tilespmem:s15+$0x0];
	v9 =	vadd.f32 $5.000000000e-01, v13;
	[tilespmem:s2+$0x0] =	vst v3  }
0x42: {  	v3 =	vadd.f32 $5.000000000e-01, v4;
	v10 =	vld [tilespmem:s15+$0x10];
	[tilespmem:s2+$0x10] =	vst v1  }
0x43: {  	v4 =	vadd.f32 $5.000000000e-01, v5;
	v11 =	vld [tilespmem:s15+$0x20];
	vm0 =	vge.f32 v9, $1.000000000e+00;
	[tilespmem:s2+$0x20] =	vst v2  }
0x44: {  	v9 =	vld [tilespmem:s15+$0xFFFFFFC0];
	vm1 =	vge.f32 v3, $1.000000000e+00;
	v2 =	vadd.f32 $5.000000000e-01, v6;
	v3 =	vsel vm0, $0x40000000, v0  }
0x45: {  	v1 =	vld [tilespmem:s31+$0xFFFFFFC0];
	v12 =	vsel vm1, $0x40000000, v0;
	vm0 =	vge.f32 v4, $1.000000000e+00;
	v5 =	vmul.f32 v3, v7  }
0x46: {  	s2 =	sadd.s32 $0x80, s2;
	v13 =	vld [tilespmem:s31+$0xFFFFFFD0];
	v3 =	vsel vm0, $0x40000000, v0;
	vm0 =	vge.f32 v2, $1.000000000e+00;
	v6 =	vadd.f32 $5.000000000e-01, v8  }
.Ltmp3:
0x47: {  	v4 =	vld [tilespmem:s31+$0xFFFFFFE0];
	v2 =	vsel vm0, $0x40000000, v0;
	v7 =	vadd.f32 $5.000000000e-01, v10;
	[tilespmem:s2+$0x30] =	vst v5;
	(pc) =	sbr.rel @p2 .LBB2_3-.Ltmp3, $4  }
0x48: {  	v5 =	vld [tilespmem:s31+$0xFFFFFFF0];
	vm0 =	vge.f32 v6, $1.000000000e+00;
	v10 =	vadd.f32 $5.000000000e-01, v11  }
0x49: {  	v11 =	vadd.f32 $5.000000000e-01, v9;
	v8 =	vsel vm0, $0x40000000, v0;
	v6 =	vld [tilespmem:s31+$0x0];
	vm0 =	vge.f32 v7, $1.000000000e+00  }
0x4a: {  	v7 =	vsel vm0, $0x40000000, v0;
	v9 =	vld [tilespmem:s31+$0x10];
	vm1 =	vge.f32 v10, $1.000000000e+00  }
0x4b: {  	s15 =	sadd.s32 $0x80, s15;
	vm0 =	vge.f32 v11, $1.000000000e+00;
	v12 =	vmul.f32 v12, v13;
	v10 =	vsel vm1, $0x40000000, v0;
	v11 =	vld [tilespmem:s31+$0x20]  }
0x4c: {  	v13 =	vsel vm0, $0x40000000, v0;
	v3 =	vmul.f32 v3, v4  }
0x4d: {  	v1 =	vmul.f32 v13, v1;
	[tilespmem:s2+$0xFFFFFFD0] =	vst v12  }
0x4e: {  	v2 =	vmul.f32 v2, v5;
	[tilespmem:s2+$0xFFFFFFE0] =	vst v3  }
0x4f: {  	v3 =	vmul.f32 v8, v6;
	[tilespmem:s2+$0xFFFFFFC0] =	vst v1  }
0x50: {  	v1 =	vmul.f32 v7, v9;
	[tilespmem:s2+$0xFFFFFFF0] =	vst v2  }
0x51: {  	v2 =	vmul.f32 v10, v11;
	[tilespmem:s2+$0x0] =	vst v3  }
0x52: {  	s0 =	sshrl.u32 s0, $0x3;
	[tilespmem:s2+$0x10] =	vst v1  }
0x53: {  	p2 =	seq.s32 s29, $0x3;
	s0 =	sadd.s32 s4, s0;
	[tilespmem:s2+$0x20] =	vst v2  }
0x54: {  	[hbm4b:s0+s5] =	stream.linear.scatter [tilespmem:s23], [sflag:$0x3], $0x4180, $0x38;
	[tilespmem:$0x18900] =	vst v63  }
0x55: {  	s0 =	sadd.s32 @!p2 s30, s12  }
0x56: {  	s0 =	sshrl.u32 @!p2 s0, $0x3  }
0x57: {  	s14 =	simm.s32 @!p2 $0x0;
	s2 =	sadd.s32 @!p2 s1, s0  }
0x58: {  	[tilespmem:s14], [sflag:$0x1] =	stream.linear.gather @!p2 [hbm4b:s2+s14], $0x4180, $0x38;
	[tilespmem:$0x18900] =	vst v63  }
0x59: {  	s0 =	sadd.s32 @!p2 s3, s0;
	s2 =	simm.s32 @!p2 $0x8300  }
0x5a: {  	[tilespmem:s2], [sflag:$0x2] =	stream.linear.gather @!p2 [hbm4b:s0+s14], $0x4180, $0x38;
	[tilespmem:$0x18900] =	vst v63  }
0x5b: {  	_ =	swait.ge [sflag:s21], $0x4180  }
0x5c: {  	[sflag:s21] =	ssyncset.done $0x0  }
0x5d: {  	[sflag:s21] =	ssyncadd.s32 $0xFFFFBE80  }
0x5e: {  	_ =	swait.ge [sflag:s22], $0x4180  }
0x5f: {  	[sflag:s22] =	ssyncset.done $0x0  }
0x60: {  	s0 =	simm.s32 @!p1 $0x3;
	[sflag:s22] =	ssyncadd.s32 $0xFFFFBE80  }
0x61: {  	_ =	swait.ge @!p1 [sflag:s0], $0x4180  }
0x62: {  	[sflag:s0] =	ssyncset.done @!p1 $0x0  }
0x63: {  	s31 =	simm.s32 $0x0;
	[sflag:s0] =	ssyncadd.s32 @!p1 $0xFFFFBE80  }
0x64: {  	v1 =	vld [tilespmem:s31+$0xC4F0]  }
0x65: {  	v2 =	vld [tilespmem:s31+$0xC480]  }
0x66: {  	v3 =	vld [tilespmem:s31+$0xC490]  }
0x67: {  	v4 =	vld [tilespmem:s31+$0xC4A0]  }
0x68: {  	v8 =	vld [tilespmem:s31+$0xC4D0]  }
0x69: {  	v6 =	vld [tilespmem:s31+$0xC4B0]  }
0x6a: {  	v7 =	vld [tilespmem:s31+$0xC4C0]  }
0x6b: {  	v5 =	vld [tilespmem:s31+$0x41F0];
	v1 =	vadd.f32 $5.000000000e-01, v1  }
0x6c: {  	v9 =	vld [tilespmem:s31+$0xC4E0];
	v2 =	vadd.f32 $5.000000000e-01, v2  }
0x6d: {  	v3 =	vadd.f32 $5.000000000e-01, v3;
	v8 =	vadd.f32 $5.000000000e-01, v8;
	vm0 =	vge.f32 v1, $1.000000000e+00  }
0x6e: {  	v62 =	vld [tilespmem:s31+$0x4180];
	vm1 =	vge.f32 v2, $1.000000000e+00;
	v1 =	vadd.f32 $5.000000000e-01, v4;
	v4 =	vadd.f32 $5.000000000e-01, v6  }
0x6f: {  	v6 =	vadd.f32 $5.000000000e-01, v7;
	v2 =	vsel vm0, $0x40000000, v0;
	vm0 =	vge.f32 v3, $1.000000000e+00;
	v3 =	vld [tilespmem:s31+$0x4190]  }
0x70: {  	v63 =	vmul.f32 v2, v5;
	v5 =	vsel vm0, $0x40000000, v0;
	vm0 =	vge.f32 v1, $1.000000000e+00;
	v1 =	vld [tilespmem:s31+$0x41A0]  }
0x71: {  	v10 =	vadd.f32 $5.000000000e-01, v9;
	v2 =	vsel vm0, $0x40000000, v0;
	vm0 =	vge.f32 v4, $1.000000000e+00;
	v4 =	vld [tilespmem:s31+$0x41B0]  }
0x72: {  	v11 =	vsel vm1, $0x40000000, v0;
	v7 =	vsel vm0, $0x40000000, v0;
	vm0 =	vge.f32 v6, $1.000000000e+00;
	v6 =	vld [tilespmem:s31+$0x41C0]  }
0x73: {  	s2 =	sadd.s32 s30, s7;
	s14 =	simm.s32 $0x200;
	s0 =	simm.s32 $0x0;
	v11 =	vmul.f32 v11, v62;
	[tilespmem:s31+$0x147F0] =	vst v63;
	v9 =	vsel vm0, $0x40000000, v0;
	vm0 =	vge.f32 v8, $1.000000000e+00;
	v8 =	vld [tilespmem:s31+$0x41D0]  }
.LBB2_5:
0x74: {  	s15 =	sshra.s32 s14, $0x2;
	s0 =	sadd.s32 $0x8, s0;
	v3 =	vmul.f32 v5, v3;
	v5 =	vsel vm0, $0x40000000, v0;
	vm0 =	vge.f32 v10, $1.000000000e+00;
	v10 =	vld [tilespmem:s31+$0x41E0]  }
0x75: {  	v12 =	vld [tilespmem:s15+$0xC4F0];
	p1 =	slt.u32 s0, $0x410;
	[tilespmem:s31+$0x14780] =	vst v11;
	v1 =	vmul.f32 v2, v1;
	v2 =	vsel vm0, $0x40000000, v0  }
0x76: {  	v11 =	vld [tilespmem:s15+$0xC480];
	[tilespmem:s31+$0x14790] =	vst v3;
	v3 =	vmul.f32 v7, v4  }
0x77: {  	v4 =	vld [tilespmem:s15+$0xC490];
	[tilespmem:s31+$0x147A0] =	vst v1;
	v1 =	vmul.f32 v9, v6  }
0x78: {  	v6 =	vld [tilespmem:s15+$0xC4A0];
	[tilespmem:s31+$0x147B0] =	vst v3;
	v3 =	vmul.f32 v5, v8  }
0x79: {  	v5 =	vld [tilespmem:s15+$0x41F0];
	[tilespmem:s31+$0x147C0] =	vst v1;
	v1 =	vmul.f32 v2, v10  }
0x7a: {  	v2 =	vld [tilespmem:s15+$0xC4B0];
	v7 =	vadd.f32 $5.000000000e-01, v12;
	[tilespmem:s31+$0x147D0] =	vst v3  }
0x7b: {  	v3 =	vadd.f32 $5.000000000e-01, v11;
	v8 =	vld [tilespmem:s15+$0xC4C0];
	[tilespmem:s31+$0x147E0] =	vst v1;
	s31 =	smov.u32 s15  }
0x7c: {  	v1 =	vadd.f32 $5.000000000e-01, v4;
	v9 =	vld [tilespmem:s31+$0xC4D0];
	vm0 =	vge.f32 v7, $1.000000000e+00  }
0x7d: {  	vm1 =	vge.f32 v3, $1.000000000e+00;
	v4 =	vadd.f32 $5.000000000e-01, v6;
	v10 =	vld [tilespmem:s31+$0xC4E0];
	v3 =	vsel vm0, $0x40000000, v0  }
0x7e: {  	v11 =	vsel vm1, $0x40000000, v0;
	v12 =	vld [tilespmem:s31+$0x4180];
	vm0 =	vge.f32 v1, $1.000000000e+00;
	v6 =	vmul.f32 v3, v5  }
.Ltmp4:
0x7f: {  	v5 =	vsel vm0, $0x40000000, v0;
	v3 =	vld [tilespmem:s31+$0x4190];
	vm0 =	vge.f32 v4, $1.000000000e+00;
	v4 =	vadd.f32 $5.000000000e-01, v2;
	(pc) =	sbr.rel @p1 .LBB2_5-.Ltmp4, $4  }
0x80: {  	v2 =	vsel vm0, $0x40000000, v0;
	v1 =	vld [tilespmem:s31+$0x41A0];
	v8 =	vadd.f32 $5.000000000e-01, v8;
	[tilespmem:s31+$0x147F0] =	vst v6  }
0x81: {  	vm0 =	vge.f32 v4, $1.000000000e+00;
	v4 =	vld [tilespmem:s31+$0x41B0];
	v13 =	vadd.f32 $5.000000000e-01, v9  }
0x82: {  	v7 =	vsel vm0, $0x40000000, v0;
	vm0 =	vge.f32 v8, $1.000000000e+00;
	v6 =	vld [tilespmem:s31+$0x41C0];
	v10 =	vadd.f32 $5.000000000e-01, v10  }
0x83: {  	s14 =	sadd.s32 $0x200, s14;
	v11 =	vmul.f32 v11, v12;
	v9 =	vsel vm0, $0x40000000, v0;
	vm0 =	vge.f32 v13, $1.000000000e+00;
	v8 =	vld [tilespmem:s31+$0x41D0]  }
0x84: {  	v3 =	vmul.f32 v5, v3;
	v62 =	vld [tilespmem:s31+$0x41E0]  }
0x85: {  	[tilespmem:s31+$0x14780] =	vst v11;
	v1 =	vmul.f32 v2, v1  }
0x86: {  	[tilespmem:s31+$0x14790] =	vst v3;
	v2 =	vmul.f32 v7, v4  }
0x87: {  	vm15 =	vge.f32 v10, $1.000000000e+00;
	v3 =	vsel vm0, $0x40000000, v0;
	[tilespmem:s31+$0x147A0] =	vst v1;
	v1 =	vmul.f32 v9, v6  }
.Ltmp5:
0x88: {  	v63 =	vsel vm15, $0x40000000, v0;
	[tilespmem:s31+$0x147B0] =	vst v2;
	v2 =	vmul.f32 v3, v8;
	(pc) =	sbr.rel @p2 .LBB2_8-.Ltmp5, $4  }
0x89: {  	[tilespmem:s31+$0x147C0] =	vst v1;
	v1 =	vmul.f32 v63, v62  }
0x8a: {  	s0 =	sshrl.u32 s2, $0x3;
	[tilespmem:s31+$0x147D0] =	vst v2  }
0x8b: {  	s0 =	sadd.s32 s4, s0;
	[tilespmem:s31+$0x147E0] =	vst v1  }
0x8c: {  	[hbm4b:s0+s5] =	stream.linear.scatter [tilespmem:s24], [sflag:$0x3], $0x4180, $0x38;
	[tilespmem:$0x18900] =	vst v63  }
0x8d: {  	s0 =	sadd.s32 s30, s13  }
.Ltmp6:
0x8e: {  	s0 =	sshrl.u32 s0, $0x3;
	(pc) =	sbr.rel .LBB2_2-.Ltmp6, $4  }
0x8f: {  	s2 =	sadd.s32 s1, s0  }
0x90: {  	[tilespmem:s19], [sflag:$0x1] =	stream.linear.gather [hbm4b:s2+s5], $0x4180, $0x38;
	[tilespmem:$0x18900] =	vst v63  }
0x91: {  	s29 =	sadd.s32 $0x1, s29;
	s0 =	sadd.s32 s3, s0  }
0x92: {  	[tilespmem:s20], [sflag:$0x2] =	stream.linear.gather [hbm4b:s0+s5], $0x4180, $0x38;
	[tilespmem:$0x18900] =	vst v63  }
.LBB2_9:
0x93: {  	s0 =	rddreg [dreg:$0x4]  }
0x94: {  	[tilespmem:s5], [sflag:$0x4] =	stream.linear.gather [hbm4b:s0+s5], $0x937, $0x38;
	[tilespmem:$0x18900] =	vst v63  }
0x95: {  	_ =	swait.ge [sflag:s26], $0x937  }
0x96: {  	[sflag:s26] =	ssyncset.done $0x0  }
0x97: {  	s29 =	rddreg [dreg:$0x5];
	[sflag:s26] =	ssyncadd.s32 $0xFFFFF6C9  }
0x98: {  	[tilespmem:s18], [sflag:$0x4] =	stream.linear.gather [hbm4b:s29+s5], $0x937, $0x38;
	[tilespmem:$0x18900] =	vst v63  }
0x99: {  	_ =	swait.ge [sflag:s26], $0x937  }
0x9a: {  	[sflag:s26] =	ssyncset.done $0x0  }
0x9b: {  	s30 =	simm.s32 $0x8320;
	[sflag:s26] =	ssyncadd.s32 $0xFFFFF6C9  }
0x9c: {  	v1 =	vld [tilespmem:s30+$0x10]  }
0x9d: {  	v2 =	vld [tilespmem:s30+$0xFFFFFFF0]  }
0x9e: {  	v3 =	vld [tilespmem:s30+$0x0]  }
0x9f: {  	s2 =	simm.s32 $0x20;
	v4 =	vld [tilespmem:s30+$0xFFFFFFE0]  }
0xa0: {  	v5 =	vld [tilespmem:s2+$0x10]  }
0xa1: {  	v6 =	vld [tilespmem:s2+$0xFFFFFFE0]  }
0xa2: {  	v7 =	vld [tilespmem:s2+$0xFFFFFFF0];
	v1 =	vadd.f32 $5.000000000e-01, v1  }
0xa3: {  	s31 =	simm.s32 $0x8360;
	v8 =	vld [tilespmem:s2+$0x0];
	v2 =	vadd.f32 $5.000000000e-01, v2  }
0xa4: {  	v9 =	vld [tilespmem:s31+$0x10];
	v3 =	vadd.f32 $5.000000000e-01, v3;
	vm0 =	vge.f32 v1, $1.000000000e+00  }
0xa5: {  	v1 =	vadd.f32 $5.000000000e-01, v4;
	vm1 =	vge.f32 v2, $1.000000000e+00;
	v4 =	vld [tilespmem:s31+$0xFFFFFFF0];
	v2 =	vsel vm0, $0x40000000, v0  }
0xa6: {  	v11 =	vld [tilespmem:s31+$0x0];
	v10 =	vsel vm1, $0x40000000, v0;
	vm1 =	vge.f32 v3, $1.000000000e+00;
	v5 =	vmul.f32 v2, v5  }
0xa7: {  	s0 =	simm.s32 $0x10620;
	s2 =	simm.s32 $0x60;
	vm0 =	vge.f32 v1, $1.000000000e+00;
	v2 =	vld [tilespmem:s31+$0xFFFFFFE0];
	v7 =	vmul.f32 v10, v7;
	v63 =	vsel vm1, $0x40000000, v0  }
0xa8: {  	v3 =	vld [tilespmem:s2+$0x10];
	v1 =	vsel vm0, $0x40000000, v0;
	v8 =	vmul.f32 v63, v8;
	[tilespmem:s0+$0x10] =	vst v5  }
0xa9: {  	v9 =	vadd.f32 $5.000000000e-01, v9;
	v6 =	vmul.f32 v1, v6;
	v1 =	vld [tilespmem:s2+$0xFFFFFFE0];
	[tilespmem:s0+$0xFFFFFFF0] =	vst v7  }
0xaa: {  	v5 =	vld [tilespmem:s2+$0xFFFFFFF0];
	v7 =	vadd.f32 $5.000000000e-01, v4;
	[tilespmem:s0+$0x0] =	vst v8  }
0xab: {  	s14 =	simm.s32 $0x4;
	s15 =	simm.s32 $0x83A0;
	vm0 =	vge.f32 v9, $1.000000000e+00;
	v4 =	vld [tilespmem:s2+$0x0];
	[tilespmem:s0+$0xFFFFFFE0] =	vst v6;
	v6 =	vadd.f32 $5.000000000e-01, v11  }
.LBB2_10:
0xac: {  	v8 =	vld [tilespmem:s15+$0x10];
	s14 =	sadd.s32 $0x4, s14;
	v2 =	vadd.f32 $5.000000000e-01, v2;
	vm1 =	vge.f32 v7, $1.000000000e+00;
	v7 =	vsel vm0, $0x40000000, v0  }
0xad: {  	v9 =	vld [tilespmem:s15+$0xFFFFFFF0];
	p1 =	slt.u32 s14, $0x90;
	v10 =	vsel vm1, $0x40000000, v0;
	vm0 =	vge.f32 v6, $1.000000000e+00;
	v3 =	vmul.f32 v7, v3  }
0xae: {  	s0 =	sadd.s32 $0x40, s0;
	v6 =	vld [tilespmem:s15+$0x0];
	vm1 =	vge.f32 v2, $1.000000000e+00;
	v7 =	vsel vm0, $0x40000000, v0  }
.Ltmp7:
0xaf: {  	s2 =	sadd.s32 $0x40, s2;
	v2 =	vld [tilespmem:s15+$0xFFFFFFE0];
	v11 =	vsel vm1, $0x40000000, v0;
	v5 =	vmul.f32 v10, v5;
	[tilespmem:s0+$0x10] =	vst v3;
	(pc) =	sbr.rel @p1 .LBB2_10-.Ltmp7, $4  }
0xb0: {  	v3 =	vld [tilespmem:s2+$0x10];
	v10 =	vmul.f32 v11, v1;
	v11 =	vmul.f32 v7, v4  }
0xb1: {  	v1 =	vld [tilespmem:s2+$0xFFFFFFE0];
	v8 =	vadd.f32 $5.000000000e-01, v8;
	[tilespmem:s0+$0xFFFFFFF0] =	vst v5  }
0xb2: {  	v7 =	vadd.f32 $5.000000000e-01, v9;
	v5 =	vld [tilespmem:s2+$0xFFFFFFF0];
	[tilespmem:s0+$0xFFFFFFE0] =	vst v10  }
0xb3: {  	s15 =	sadd.s32 $0x40, s15;
	v6 =	vadd.f32 $5.000000000e-01, v6;
	v4 =	vld [tilespmem:s2+$0x0];
	vm0 =	vge.f32 v8, $1.000000000e+00;
	[tilespmem:s0+$0x0] =	vst v11  }
0xb4: {  	v2 =	vadd.f32 $5.000000000e-01, v2  }
0xb5: {  	vm1 =	vge.f32 v7, $1.000000000e+00;
	v63 =	vsel vm0, $0x40000000, v0  }
0xb6: {  	v8 =	vsel vm1, $0x40000000, v0;
	v3 =	vmul.f32 v63, v3;
	vm14 =	vge.f32 v2, $1.000000000e+00  }
0xb7: {  	s0 =	sadd.s32 $0x40, s0;
	vm15 =	vge.f32 v6, $1.000000000e+00;
	v2 =	vsel vm14, $0x40000000, v0;
	v5 =	vmul.f32 v8, v5  }
0xb8: {  	v6 =	vsel vm15, $0x40000000, v0;
	[tilespmem:s0+$0x10] =	vst v3;
	v1 =	vmul.f32 v2, v1  }
0xb9: {  	v2 =	vmul.f32 v6, v4;
	[tilespmem:s0+$0xFFFFFFF0] =	vst v5  }
0xba: {  	[tilespmem:s0+$0xFFFFFFE0] =	vst v1  }
.Ltmp8:
0xbb: {  	[tilespmem:s0+$0x0] =	vst v2;
	(pc) =	sbr.rel .LBB2_12-.Ltmp8, $4  }
0xbc: {  	[hbm4b:s16+s5] =	stream.linear.scatter [tilespmem:s23], [sflag:$0x4], $0x937, $0x38;
	[tilespmem:$0x18900] =	vst v63  }
0xbd: {  	_ =	swait.ge [sflag:s26], $0x937  }
0xbe: {  	[sflag:s26] =	ssyncset.done $0x0  }
0xbf: {  	[sflag:s26] =	ssyncadd.s32 $0xFFFFF6C9  }
.LBB2_13:
0xc0: {  	_ =	sfence.sel $0x180000  }
0xc1: {  	[bflag:$0x0] =	sbarrier.arrive $0xFFFF  }
0xc2: {  	_ =	strace $0x90000047  }
0xc3: {  	s0 =	stileid.u32;
	[bflag:$0x2] =	sbarrier.arrive $0xFFFF  }
0xc4: {  	p0 =	sne.s32 s0, $0x0;
	s0 =	rddreg [dreg:$0x3]  }
0xc5: {  	s0 =	sadd.s32 @!p0 $0x100000, s0  }
0xc6: {  	[sflag:s0] =	ssyncadd.tile.s32 @!p0 $0x1;
	_ =	shalt  }
.Lfunc_end2:
_tile_overlayer_lowered:
.L_overlay_start_2:
0xc7: {  	(tag) =	ssettag $0x2  }
0xc8: {  	s0 =	rddreg [dreg:$0x0];
	s2 =	stileid.u32  }
0xc9: {  	s1 =	rddreg [dreg:$0x1];
	p0 =	sne.s32 s2, $0x0  }
0xca: {  	s3 =	rddreg [dreg:$0x2];
	[bflag:$0x3] =	sbarrier.arrive $0xFFFF;
	s2 =	simm.s32 @!p0 $0x1C04  }
0xcb: {  	[timem:s3], [sflag:s2] =	dma.local @!p0 [hbm:s0], s1  }
0xcc: {  	s0 =	simm.s32 @!p0 $0x4  }
0xcd: {  	_ =	swait.ge @!p0 [sflag:s0], s1  }
0xce: {  	s1 =	ssub.s32 @!p0 $0x0, s1;
	[sflag:s0] =	ssyncset.done @!p0 $0x0  }
0xcf: {  	[sflag:s0] =	ssyncadd.s32 @!p0 s1  }
0xd0: {  	[bflag:$0x3] =	sbarrier.arrive $0xFFFF  }
0xd1: {  	_ =	shalt  }

</sc_bundles>
